<compile_context>
chip_gen: v7x
topology: tpu7x:2x2x1
jax: 0.10.2.dev20260603
libtpu: 0.0.44.dev20260713+nightly
codegen_flags: <defaults>
</compile_context>

<pallas_src>
import functools

import jax
import jax.numpy as jnp
from jax import lax
from jax.experimental import pallas as pl
from jax.experimental.pallas import tpu as pltpu
from jax.experimental.pallas import tpu_sc as plsc

_B, _H, _D, _V = 16384, 50, 64, 1000000
_BR = 16384
_NB = 31
_S = _BR * _NB
_VP = 2 * _S

_NC, _NS, _L = 2, 16, 16
_NW = _NC * _NS
_BPW = _B // _NW
_C = 4
_CW = _C * _H
_NCH = _BPW // _C
_NBUF = 4
_INV = 1.0 / _H
_WIDX = _BPW * _H


def _pack_body(x1_ref, x2_ref, out_ref):
    x = jnp.concatenate([x1_ref[...], x2_ref[...]], axis=0)
    out_ref[...] = jnp.swapaxes(x, 0, 1)


def _pack(tab_t):
    return pl.pallas_call(
        _pack_body,
        out_shape=jax.ShapeDtypeStruct((_S, 2 * _D), jnp.float32),
        grid=(_NB,),
        in_specs=[
            pl.BlockSpec((_D, _BR), lambda g: (0, g)),
            pl.BlockSpec(
                (_D, _BR),
                lambda g: (0, jnp.minimum(g + _NB, (_V + _BR - 1) // _BR - 1)),
            ),
        ],
        out_specs=pl.BlockSpec((_BR, 2 * _D), lambda g: (g, 0)),
    )(tab_t, tab_t)


def _body(xs_hbm, tab_hbm, out_hbm, xs_v, rows_bufs, out_v, sems):
    wid = lax.axis_index("s") * _NC + lax.axis_index("c")
    base = wid * _BPW

    pltpu.sync_copy(xs_hbm.at[pl.ds(base * _H, _WIDX)], xs_v)

    @pl.loop(0, _WIDX, step=_L)
    def _remap(k):
        v = xs_v[pl.ds(k, _L)]
        ge = v >= _S
        xs_v[pl.ds(k, _L)] = 2 * v - jnp.where(ge, _VP - 1, 0)

    for b in range(_NBUF):
        pltpu.async_copy(
            tab_hbm.at[xs_v.at[pl.ds(b * _CW, _CW)]], rows_bufs[b], sems[b]
        )

    @pl.loop(0, _NCH, step=_NBUF)
    def _chunks(ci):
        for b in range(_NBUF):
            rows = rows_bufs[b]
            sem = sems[b]
            cur = ci + b
            pltpu.make_async_copy(
                tab_hbm.at[xs_v.at[pl.ds(cur * _CW, _CW)]], rows, sem
            ).wait()

            @pl.loop(0, _C)
            def _items(i, rows=rows, cur=cur):
                rowbase = i * _H
                z = jnp.zeros((_L,), jnp.float32)

                @pl.loop(0, _H, init_carry=(z, z, z, z), unroll=5)
                def _acc(j, carry, rows=rows, rowbase=rowbase):
                    a0, a1, a2, a3 = carry
                    rr = rowbase + j
                    return (
                        a0 + rows[rr, pl.ds(0, _L)],
                        a1 + rows[rr, pl.ds(_L, _L)],
                        a2 + rows[rr, pl.ds(2 * _L, _L)],
                        a3 + rows[rr, pl.ds(3 * _L, _L)],
                    )

                a0, a1, a2, a3 = _acc
                r0 = cur * _C + i
                out_v[r0, pl.ds(0, _L)] = a0 * _INV
                out_v[r0, pl.ds(_L, _L)] = a1 * _INV
                out_v[r0, pl.ds(2 * _L, _L)] = a2 * _INV
                out_v[r0, pl.ds(3 * _L, _L)] = a3 * _INV

            nxt = cur + _NBUF

            @pl.when(nxt < _NCH)
            def _fire(rows=rows, sem=sem, nxt=nxt):
                pltpu.async_copy(
                    tab_hbm.at[xs_v.at[pl.ds(nxt * _CW, _CW)]], rows, sem
                )

    pltpu.sync_copy(out_v, out_hbm.at[pl.ds(base, _BPW)])


@functools.cache
def _make_sc_kernel():
    mesh = plsc.VectorSubcoreMesh(
        core_axis_name="c", subcore_axis_name="s",
        num_cores=_NC, num_subcores=_NS,
    )

    def body(xs_hbm, tab_hbm, out_hbm, xs_v,
             r0, r1, r2, r3, out_v, s0, s1, s2, s3):
        _body(xs_hbm, tab_hbm, out_hbm, xs_v, (r0, r1, r2, r3), out_v,
              (s0, s1, s2, s3))

    return pl.kernel(
        body,
        out_type=jax.ShapeDtypeStruct((_B, _D), jnp.float32),
        mesh=mesh,
        scratch_types=[
            pltpu.VMEM((_WIDX,), jnp.int32),
            pltpu.VMEM((_CW, _D), jnp.float32),
            pltpu.VMEM((_CW, _D), jnp.float32),
            pltpu.VMEM((_CW, _D), jnp.float32),
            pltpu.VMEM((_CW, _D), jnp.float32),
            pltpu.VMEM((_BPW, _D), jnp.float32),
            pltpu.SemaphoreType.DMA,
            pltpu.SemaphoreType.DMA,
            pltpu.SemaphoreType.DMA,
            pltpu.SemaphoreType.DMA,
        ],
        compiler_params=pltpu.CompilerParams(use_tc_tiling_on_sc=False),
    )


def kernel(xs, table):
    xs_flat = xs.reshape(-1).astype(jnp.int32)
    tab_lin = _pack(table.T).reshape(_VP, _D)
    return _make_sc_kernel()(xs_flat, tab_lin)

# --- scband reference (transcript-rebuilt; emitter-appended) ---
"""Pipeline reference for scband-encoder-10187662426149 (READ-ONLY COPY).

The authoritative reference and input builder live on the scoring server;
editing this copy changes nothing except your own understanding.
"""

import jax, jax.numpy as jnp
import numpy as np

VOCAB = 1000000
EMBED_DIM = 64
BATCH = 16384
HIST = 50

def setup_inputs(seed: int = 0) -> dict:
    key = jax.random.key(seed)
    k_idx, k_tab = jax.random.split(key)
    xs = jax.random.randint(k_idx, (BATCH, HIST), 0, VOCAB, dtype=jnp.int64 if jax.config.jax_enable_x64 else jnp.int32)
    table = jax.random.normal(k_tab, (VOCAB, EMBED_DIM), dtype=jnp.float32) * (1.0 / jnp.sqrt(EMBED_DIM))
    return {"xs": xs, "table": table}

def reference(xs, table):
    # Encoder.forward: xs_emb = self.lt(xs).mean(1)
    emb = jnp.take(table, xs, axis=0)        # [B, L, D] gather (embedding lookup)
    xs_emb = emb.mean(axis=1)                # mean over sequence length
    return xs_emb

if __name__ == "__main__":
    import jax
    _d = setup_inputs()
    print(jax.jit(kernel)(*tuple(_d.values())))

</pallas_src>

<mosaic_0001>
#map = affine_map<(d0, d1) -> (0)>
#map1 = affine_map<(d0, d1) -> (0, 0)>
module attributes {stable_mosaic.version = 14 : i64} {
  func.func @body(%arg0: i32, %arg1: i32, %arg2: memref<819200xi32, #tpu.memory_space<hbm>>, %arg3: memref<1015808x64xf32, #tpu.memory_space<hbm>>, %arg4: memref<16384x64xf32, #tpu.memory_space<hbm>>, %arg5: memref<25600xi32, #tpu.memory_space<vmem>>, %arg6: memref<200x64xf32, #tpu.memory_space<vmem>>, %arg7: memref<200x64xf32, #tpu.memory_space<vmem>>, %arg8: memref<200x64xf32, #tpu.memory_space<vmem>>, %arg9: memref<200x64xf32, #tpu.memory_space<vmem>>, %arg10: memref<512x64xf32, #tpu.memory_space<vmem>>, %arg11: memref<!tpu.dma_semaphore, #tpu.memory_space<semaphore_mem>>, %arg12: memref<!tpu.dma_semaphore, #tpu.memory_space<semaphore_mem>>, %arg13: memref<!tpu.dma_semaphore, #tpu.memory_space<semaphore_mem>>, %arg14: memref<!tpu.dma_semaphore, #tpu.memory_space<semaphore_mem>>) attributes {dimension_semantics = [#tpu.dimension_semantics<core_parallel>, #tpu.dimension_semantics<subcore_parallel>], iteration_bounds = array<i64: 2, 16>, scalar_prefetch = 0 : i64, scratch_operands = 10 : i64, tpu.core_type = #tpu.core_type<sc_vector_subcore>, window_params = [{transform_indices = #map}, {transform_indices = #map1}, {transform_indices = #map1}]} {
    %mul3A = arith.constant 2 : i32
    %mul3A_0 = arith.muli %arg1, %mul3A : i32
    %add3A = arith.addi %mul3A_0, %arg0 : i32
    %mul3A_1 = arith.constant 512 : i32
    %mul3A_2 = arith.muli %add3A, %mul3A_1 : i32
    %mul3A_3 = arith.constant 50 : i32
    %mul3A_4 = arith.muli %mul3A_2, %mul3A_3 : i32
    "tpu.region"() ({
      %run_scoped3A = tpu.sem_alloc : memref<!tpu.dma_semaphore, #tpu.memory_space<semaphore_mem>>
      %dma_start3A_33 = tpu.memref_slice %arg2[%mul3A_4] : memref<819200xi32, #tpu.memory_space<hbm>> -> memref<25600xi32, #tpu.memory_space<hbm>>
      %dma_start3A_34 = tpu.memref_slice %arg2[%mul3A_4] : memref<819200xi32, #tpu.memory_space<hbm>> -> memref<25600xi32, #tpu.memory_space<hbm>>
      tpu.enqueue_dma source(%dma_start3A_34 : memref<25600xi32, #tpu.memory_space<hbm>>) target(%arg5 : memref<25600xi32, #tpu.memory_space<vmem>>) target_semaphore(%run_scoped3A : memref<!tpu.dma_semaphore, #tpu.memory_space<semaphore_mem>>)
      %dma_wait3A = tpu.memref_slice %arg2[%mul3A_4] : memref<819200xi32, #tpu.memory_space<hbm>> -> memref<25600xi32, #tpu.memory_space<hbm>>
      %dma_wait3A_35 = tpu.memref_slice %arg2[%mul3A_4] : memref<819200xi32, #tpu.memory_space<hbm>> -> memref<25600xi32, #tpu.memory_space<hbm>>
      tpu.wait_dma2 semaphore(%run_scoped3A : memref<!tpu.dma_semaphore, #tpu.memory_space<semaphore_mem>>) src(%dma_wait3A_35 : memref<25600xi32, #tpu.memory_space<hbm>>) dst(%arg5 : memref<25600xi32, #tpu.memory_space<vmem>>)
      tpu.yield
    }) : () -> ()
    %scan3A = arith.constant 0 : i32
    %scan3A_5 = arith.constant 1600 : i32
    %scan3A_6 = arith.addi %scan3A, %scan3A_5 : i32
    %scan3A_7 = arith.constant 1 : i32
    scf.for %scan3A_33 = %scan3A to %scan3A_6 step %scan3A_7  : i32 {
      %mul3A_34 = arith.constant 16 : i32
      %mul3A_35 = arith.muli %scan3A_33, %mul3A_34 : i32
      %add3A_36 = arith.constant 0 : i32
      %add3A_37 = arith.addi %add3A_36, %mul3A_35 : i32
      %get3A = arith.index_cast %add3A_37 : i32 to index
      %get3A_38 = tpu.vector_load %arg5[%get3A] {strides = array<i32>} : memref<25600xi32, #tpu.memory_space<vmem>>, vector<16xi32>,
      %get3A_39 = vector.shape_cast %get3A_38 : vector<16xi32> to vector<16xi32>
      %ge3A = arith.constant 507904 : i32
      %ge3A_40 = vector.broadcast %ge3A : i32 to vector<16xi32>
      %ge3A_41 = arith.cmpi sge, %get3A_39, %ge3A_40 : vector<16xi32>
      %mul3A_42 = arith.constant 2 : i32
      %mul3A_43 = vector.broadcast %mul3A_42 : i32 to vector<16xi32>
      %mul3A_44 = arith.muli %mul3A_43, %get3A_39 : vector<16xi32>
      %jit3A = arith.constant 1015807 : i32
      %jit3A_45 = arith.constant 0 : i32
      %broadcast_in_dim3A = vector.broadcast %jit3A : i32 to vector<16xi32>
      %broadcast_in_dim3A_46 = vector.broadcast %jit3A_45 : i32 to vector<16xi32>
      %select_n3A = arith.select %ge3A_41, %broadcast_in_dim3A, %broadcast_in_dim3A_46 : vector<16xi1>, vector<16xi32>
      %sub3A = arith.subi %mul3A_44, %select_n3A : vector<16xi32>
      %swap3A = arith.index_cast %add3A_37 : i32 to index
      %swap3A_47 = tpu.vector_load %arg5[%swap3A] {strides = array<i32>} : memref<25600xi32, #tpu.memory_space<vmem>>, vector<16xi32>,
      %swap3A_48 = vector.shape_cast %swap3A_47 : vector<16xi32> to vector<16xi32>
      %swap3A_49 = vector.shape_cast %sub3A : vector<16xi32> to vector<16xi32>
      tpu.vector_store %arg5[%swap3A], %swap3A_49 {strides = array<i32>} : memref<25600xi32, #tpu.memory_space<vmem>>, vector<16xi32>,
    }
    %scan3A_8 = arith.constant 1600 : i32
    %dma_start3A = arith.constant 0 : i32
    %dma_start3A_9 = tpu.memref_slice %arg5[%dma_start3A] : memref<25600xi32, #tpu.memory_space<vmem>> -> memref<200xi32, #tpu.memory_space<vmem>>
    %dma_start3A_10 = arith.constant 0 : i32
    %dma_start3A_11 = arith.constant 0 : i32
    %dma_start3A_12 = tpu.memref_slice %arg3[%dma_start3A_10, %dma_start3A_11] : memref<1015808x64xf32, #tpu.memory_space<hbm>> -> memref<1015808x64xf32, #tpu.memory_space<hbm>>
    tpu.enqueue_indirect_dma source(%dma_start3A_12 : memref<1015808x64xf32, #tpu.memory_space<hbm>>) target(%arg6 : memref<200x64xf32, #tpu.memory_space<vmem>>) offsets(%dma_start3A_9 : memref<200xi32, #tpu.memory_space<vmem>>) semaphore(%arg11 : memref<!tpu.dma_semaphore, #tpu.memory_space<semaphore_mem>>)
    %dma_start3A_13 = arith.constant 200 : i32
    %dma_start3A_14 = tpu.memref_slice %arg5[%dma_start3A_13] : memref<25600xi32, #tpu.memory_space<vmem>> -> memref<200xi32, #tpu.memory_space<vmem>>
    %dma_start3A_15 = arith.constant 0 : i32
    %dma_start3A_16 = arith.constant 0 : i32
    %dma_start3A_17 = tpu.memref_slice %arg3[%dma_start3A_15, %dma_start3A_16] : memref<1015808x64xf32, #tpu.memory_space<hbm>> -> memref<1015808x64xf32, #tpu.memory_space<hbm>>
    tpu.enqueue_indirect_dma source(%dma_start3A_17 : memref<1015808x64xf32, #tpu.memory_space<hbm>>) target(%arg7 : memref<200x64xf32, #tpu.memory_space<vmem>>) offsets(%dma_start3A_14 : memref<200xi32, #tpu.memory_space<vmem>>) semaphore(%arg12 : memref<!tpu.dma_semaphore, #tpu.memory_space<semaphore_mem>>)
    %dma_start3A_18 = arith.constant 400 : i32
    %dma_start3A_19 = tpu.memref_slice %arg5[%dma_start3A_18] : memref<25600xi32, #tpu.memory_space<vmem>> -> memref<200xi32, #tpu.memory_space<vmem>>
    %dma_start3A_20 = arith.constant 0 : i32
    %dma_start3A_21 = arith.constant 0 : i32
    %dma_start3A_22 = tpu.memref_slice %arg3[%dma_start3A_20, %dma_start3A_21] : memref<1015808x64xf32, #tpu.memory_space<hbm>> -> memref<1015808x64xf32, #tpu.memory_space<hbm>>
    tpu.enqueue_indirect_dma source(%dma_start3A_22 : memref<1015808x64xf32, #tpu.memory_space<hbm>>) target(%arg8 : memref<200x64xf32, #tpu.memory_space<vmem>>) offsets(%dma_start3A_19 : memref<200xi32, #tpu.memory_space<vmem>>) semaphore(%arg13 : memref<!tpu.dma_semaphore, #tpu.memory_space<semaphore_mem>>)
    %dma_start3A_23 = arith.constant 600 : i32
    %dma_start3A_24 = tpu.memref_slice %arg5[%dma_start3A_23] : memref<25600xi32, #tpu.memory_space<vmem>> -> memref<200xi32, #tpu.memory_space<vmem>>
    %dma_start3A_25 = arith.constant 0 : i32
    %dma_start3A_26 = arith.constant 0 : i32
    %dma_start3A_27 = tpu.memref_slice %arg3[%dma_start3A_25, %dma_start3A_26] : memref<1015808x64xf32, #tpu.memory_space<hbm>> -> memref<1015808x64xf32, #tpu.memory_space<hbm>>
    tpu.enqueue_indirect_dma source(%dma_start3A_27 : memref<1015808x64xf32, #tpu.memory_space<hbm>>) target(%arg9 : memref<200x64xf32, #tpu.memory_space<vmem>>) offsets(%dma_start3A_24 : memref<200xi32, #tpu.memory_space<vmem>>) semaphore(%arg14 : memref<!tpu.dma_semaphore, #tpu.memory_space<semaphore_mem>>)
    %scan3A_28 = arith.constant 0 : i32
    %scan3A_29 = arith.constant 32 : i32
    %scan3A_30 = arith.addi %scan3A_28, %scan3A_29 : i32
    %scan3A_31 = arith.constant 1 : i32
    scf.for %scan3A_33 = %scan3A_28 to %scan3A_30 step %scan3A_31  : i32 {
      %mul3A_34 = arith.constant 4 : i32
      %mul3A_35 = arith.muli %scan3A_33, %mul3A_34 : i32
      %add3A_36 = arith.constant 0 : i32
      %add3A_37 = arith.addi %add3A_36, %mul3A_35 : i32
      %add3A_38 = arith.constant 0 : i32
      %add3A_39 = arith.addi %add3A_37, %add3A_38 : i32
      %mul3A_40 = arith.constant 200 : i32
      %mul3A_41 = arith.muli %add3A_39, %mul3A_40 : i32
      %dma_wait3A = tpu.memref_slice %arg5[%mul3A_41] : memref<25600xi32, #tpu.memory_space<vmem>> -> memref<200xi32, #tpu.memory_space<vmem>>
      %dma_wait3A_42 = arith.constant 0 : i32
      %dma_wait3A_43 = arith.constant 0 : i32
      %dma_wait3A_44 = tpu.memref_slice %arg3[%dma_wait3A_42, %dma_wait3A_43] : memref<1015808x64xf32, #tpu.memory_space<hbm>> -> memref<1015808x64xf32, #tpu.memory_space<hbm>>
      tpu.wait_indirect_dma semaphore(%arg11 : memref<!tpu.dma_semaphore, #tpu.memory_space<semaphore_mem>>) src(%dma_wait3A_44 : memref<1015808x64xf32, #tpu.memory_space<hbm>>) dst(%arg6 : memref<200x64xf32, #tpu.memory_space<vmem>>)
      %scan3A_45 = arith.constant 0 : i32
      %scan3A_46 = arith.constant 4 : i32
      %scan3A_47 = arith.addi %scan3A_45, %scan3A_46 : i32
      %scan3A_48 = arith.constant 1 : i32
      scf.for %scan3A_114 = %scan3A_45 to %scan3A_47 step %scan3A_48  : i32 {
        %mul3A_115 = arith.constant 1 : i32
        %mul3A_116 = arith.muli %scan3A_114, %mul3A_115 : i32
        %add3A_117 = arith.constant 0 : i32
        %add3A_118 = arith.addi %add3A_117, %mul3A_116 : i32
        %mul3A_119 = arith.constant 50 : i32
        %mul3A_120 = arith.muli %add3A_118, %mul3A_119 : i32
        %broadcast_in_dim3A = arith.constant 0.000000e+00 : f32
        %broadcast_in_dim3A_121 = vector.broadcast %broadcast_in_dim3A : f32 to vector<16xf32>
        %scan3A_122 = arith.constant 0 : i32
        %scan3A_123 = arith.constant 50 : i32
        %scan3A_124 = arith.addi %scan3A_122, %scan3A_123 : i32
        %scan3A_125 = arith.constant 5 : i32
        %scan3A_126:4 = scf.for %scan3A_162 = %scan3A_122 to %scan3A_124 step %scan3A_125 iter_args(%scan3A_163 = %broadcast_in_dim3A_121, %scan3A_164 = %broadcast_in_dim3A_121, %scan3A_165 = %broadcast_in_dim3A_121, %scan3A_166 = %broadcast_in_dim3A_121) -> (vector<16xf32>, vector<16xf32>, vector<16xf32>, vector<16xf32>)  : i32 {
          %mul3A_167 = arith.constant 1 : i32
          %mul3A_168 = arith.muli %scan3A_162, %mul3A_167 : i32
          %add3A_169 = arith.constant 0 : i32
          %add3A_170 = arith.addi %add3A_169, %mul3A_168 : i32
          %add3A_171 = arith.addi %mul3A_120, %add3A_170 : i32
          %get3A = arith.index_cast %add3A_171 : i32 to index
          %get3A_172 = arith.constant 0 : index
          %get3A_173 = tpu.vector_load %arg6[%get3A, %get3A_172] {strides = array<i32>} : memref<200x64xf32, #tpu.memory_space<vmem>>, vector<1x16xf32>,
          %get3A_174 = vector.shape_cast %get3A_173 : vector<1x16xf32> to vector<16xf32>
          %add3A_175 = arith.addf %scan3A_163, %get3A_174 : vector<16xf32>
          %get3A_176 = arith.index_cast %add3A_171 : i32 to index
          %get3A_177 = arith.constant 16 : index
          %get3A_178 = tpu.vector_load %arg6[%get3A_176, %get3A_177] {strides = array<i32>} : memref<200x64xf32, #tpu.memory_space<vmem>>, vector<1x16xf32>,
          %get3A_179 = vector.shape_cast %get3A_178 : vector<1x16xf32> to vector<16xf32>
          %add3A_180 = arith.addf %scan3A_164, %get3A_179 : vector<16xf32>
          %get3A_181 = arith.index_cast %add3A_171 : i32 to index
          %get3A_182 = arith.constant 32 : index
          %get3A_183 = tpu.vector_load %arg6[%get3A_181, %get3A_182] {strides = array<i32>} : memref<200x64xf32, #tpu.memory_space<vmem>>, vector<1x16xf32>,
          %get3A_184 = vector.shape_cast %get3A_183 : vector<1x16xf32> to vector<16xf32>
          %add3A_185 = arith.addf %scan3A_165, %get3A_184 : vector<16xf32>
          %get3A_186 = arith.index_cast %add3A_171 : i32 to index
          %get3A_187 = arith.constant 48 : index
          %get3A_188 = tpu.vector_load %arg6[%get3A_186, %get3A_187] {strides = array<i32>} : memref<200x64xf32, #tpu.memory_space<vmem>>, vector<1x16xf32>,
          %get3A_189 = vector.shape_cast %get3A_188 : vector<1x16xf32> to vector<16xf32>
          %add3A_190 = arith.addf %scan3A_166, %get3A_189 : vector<16xf32>
          %scan3A_191 = arith.constant 1 : i32
          %scan3A_192 = arith.addi %scan3A_162, %scan3A_191 : i32
          %mul3A_193 = arith.constant 1 : i32
          %mul3A_194 = arith.muli %scan3A_192, %mul3A_193 : i32
          %add3A_195 = arith.constant 0 : i32
          %add3A_196 = arith.addi %add3A_195, %mul3A_194 : i32
          %add3A_197 = arith.addi %mul3A_120, %add3A_196 : i32
          %get3A_198 = arith.index_cast %add3A_197 : i32 to index
          %get3A_199 = arith.constant 0 : index
          %get3A_200 = tpu.vector_load %arg6[%get3A_198, %get3A_199] {strides = array<i32>} : memref<200x64xf32, #tpu.memory_space<vmem>>, vector<1x16xf32>,
          %get3A_201 = vector.shape_cast %get3A_200 : vector<1x16xf32> to vector<16xf32>
          %add3A_202 = arith.addf %add3A_175, %get3A_201 : vector<16xf32>
          %get3A_203 = arith.index_cast %add3A_197 : i32 to index
          %get3A_204 = arith.constant 16 : index
          %get3A_205 = tpu.vector_load %arg6[%get3A_203, %get3A_204] {strides = array<i32>} : memref<200x64xf32, #tpu.memory_space<vmem>>, vector<1x16xf32>,
          %get3A_206 = vector.shape_cast %get3A_205 : vector<1x16xf32> to vector<16xf32>
          %add3A_207 = arith.addf %add3A_180, %get3A_206 : vector<16xf32>
          %get3A_208 = arith.index_cast %add3A_197 : i32 to index
          %get3A_209 = arith.constant 32 : index
          %get3A_210 = tpu.vector_load %arg6[%get3A_208, %get3A_209] {strides = array<i32>} : memref<200x64xf32, #tpu.memory_space<vmem>>, vector<1x16xf32>,
          %get3A_211 = vector.shape_cast %get3A_210 : vector<1x16xf32> to vector<16xf32>
          %add3A_212 = arith.addf %add3A_185, %get3A_211 : vector<16xf32>
          %get3A_213 = arith.index_cast %add3A_197 : i32 to index
          %get3A_214 = arith.constant 48 : index
          %get3A_215 = tpu.vector_load %arg6[%get3A_213, %get3A_214] {strides = array<i32>} : memref<200x64xf32, #tpu.memory_space<vmem>>, vector<1x16xf32>,
          %get3A_216 = vector.shape_cast %get3A_215 : vector<1x16xf32> to vector<16xf32>
          %add3A_217 = arith.addf %add3A_190, %get3A_216 : vector<16xf32>
          %scan3A_218 = arith.constant 2 : i32
          %scan3A_219 = arith.addi %scan3A_162, %scan3A_218 : i32
          %mul3A_220 = arith.constant 1 : i32
          %mul3A_221 = arith.muli %scan3A_219, %mul3A_220 : i32
          %add3A_222 = arith.constant 0 : i32
          %add3A_223 = arith.addi %add3A_222, %mul3A_221 : i32
          %add3A_224 = arith.addi %mul3A_120, %add3A_223 : i32
          %get3A_225 = arith.index_cast %add3A_224 : i32 to index
          %get3A_226 = arith.constant 0 : index
          %get3A_227 = tpu.vector_load %arg6[%get3A_225, %get3A_226] {strides = array<i32>} : memref<200x64xf32, #tpu.memory_space<vmem>>, vector<1x16xf32>,
          %get3A_228 = vector.shape_cast %get3A_227 : vector<1x16xf32> to vector<16xf32>
          %add3A_229 = arith.addf %add3A_202, %get3A_228 : vector<16xf32>
          %get3A_230 = arith.index_cast %add3A_224 : i32 to index
          %get3A_231 = arith.constant 16 : index
          %get3A_232 = tpu.vector_load %arg6[%get3A_230, %get3A_231] {strides = array<i32>} : memref<200x64xf32, #tpu.memory_space<vmem>>, vector<1x16xf32>,
          %get3A_233 = vector.shape_cast %get3A_232 : vector<1x16xf32> to vector<16xf32>
          %add3A_234 = arith.addf %add3A_207, %get3A_233 : vector<16xf32>
          %get3A_235 = arith.index_cast %add3A_224 : i32 to index
          %get3A_236 = arith.constant 32 : index
          %get3A_237 = tpu.vector_load %arg6[%get3A_235, %get3A_236] {strides = array<i32>} : memref<200x64xf32, #tpu.memory_space<vmem>>, vector<1x16xf32>,
          %get3A_238 = vector.shape_cast %get3A_237 : vector<1x16xf32> to vector<16xf32>
          %add3A_239 = arith.addf %add3A_212, %get3A_238 : vector<16xf32>
          %get3A_240 = arith.index_cast %add3A_224 : i32 to index
          %get3A_241 = arith.constant 48 : index
          %get3A_242 = tpu.vector_load %arg6[%get3A_240, %get3A_241] {strides = array<i32>} : memref<200x64xf32, #tpu.memory_space<vmem>>, vector<1x16xf32>,
          %get3A_243 = vector.shape_cast %get3A_242 : vector<1x16xf32> to vector<16xf32>
          %add3A_244 = arith.addf %add3A_217, %get3A_243 : vector<16xf32>
          %scan3A_245 = arith.constant 3 : i32
          %scan3A_246 = arith.addi %scan3A_162, %scan3A_245 : i32
          %mul3A_247 = arith.constant 1 : i32
          %mul3A_248 = arith.muli %scan3A_246, %mul3A_247 : i32
          %add3A_249 = arith.constant 0 : i32
          %add3A_250 = arith.addi %add3A_249, %mul3A_248 : i32
          %add3A_251 = arith.addi %mul3A_120, %add3A_250 : i32
          %get3A_252 = arith.index_cast %add3A_251 : i32 to index
          %get3A_253 = arith.constant 0 : index
          %get3A_254 = tpu.vector_load %arg6[%get3A_252, %get3A_253] {strides = array<i32>} : memref<200x64xf32, #tpu.memory_space<vmem>>, vector<1x16xf32>,
          %get3A_255 = vector.shape_cast %get3A_254 : vector<1x16xf32> to vector<16xf32>
          %add3A_256 = arith.addf %add3A_229, %get3A_255 : vector<16xf32>
          %get3A_257 = arith.index_cast %add3A_251 : i32 to index
          %get3A_258 = arith.constant 16 : index
          %get3A_259 = tpu.vector_load %arg6[%get3A_257, %get3A_258] {strides = array<i32>} : memref<200x64xf32, #tpu.memory_space<vmem>>, vector<1x16xf32>,
          %get3A_260 = vector.shape_cast %get3A_259 : vector<1x16xf32> to vector<16xf32>
          %add3A_261 = arith.addf %add3A_234, %get3A_260 : vector<16xf32>
          %get3A_262 = arith.index_cast %add3A_251 : i32 to index
          %get3A_263 = arith.constant 32 : index
          %get3A_264 = tpu.vector_load %arg6[%get3A_262, %get3A_263] {strides = array<i32>} : memref<200x64xf32, #tpu.memory_space<vmem>>, vector<1x16xf32>,
          %get3A_265 = vector.shape_cast %get3A_264 : vector<1x16xf32> to vector<16xf32>
          %add3A_266 = arith.addf %add3A_239, %get3A_265 : vector<16xf32>
          %get3A_267 = arith.index_cast %add3A_251 : i32 to index
          %get3A_268 = arith.constant 48 : index
          %get3A_269 = tpu.vector_load %arg6[%get3A_267, %get3A_268] {strides = array<i32>} : memref<200x64xf32, #tpu.memory_space<vmem>>, vector<1x16xf32>,
          %get3A_270 = vector.shape_cast %get3A_269 : vector<1x16xf32> to vector<16xf32>
          %add3A_271 = arith.addf %add3A_244, %get3A_270 : vector<16xf32>
          %scan3A_272 = arith.constant 4 : i32
          %scan3A_273 = arith.addi %scan3A_162, %scan3A_272 : i32
          %mul3A_274 = arith.constant 1 : i32
          %mul3A_275 = arith.muli %scan3A_273, %mul3A_274 : i32
          %add3A_276 = arith.constant 0 : i32
          %add3A_277 = arith.addi %add3A_276, %mul3A_275 : i32
          %add3A_278 = arith.addi %mul3A_120, %add3A_277 : i32
          %get3A_279 = arith.index_cast %add3A_278 : i32 to index
          %get3A_280 = arith.constant 0 : index
          %get3A_281 = tpu.vector_load %arg6[%get3A_279, %get3A_280] {strides = array<i32>} : memref<200x64xf32, #tpu.memory_space<vmem>>, vector<1x16xf32>,
          %get3A_282 = vector.shape_cast %get3A_281 : vector<1x16xf32> to vector<16xf32>
          %add3A_283 = arith.addf %add3A_256, %get3A_282 : vector<16xf32>
          %get3A_284 = arith.index_cast %add3A_278 : i32 to index
          %get3A_285 = arith.constant 16 : index
          %get3A_286 = tpu.vector_load %arg6[%get3A_284, %get3A_285] {strides = array<i32>} : memref<200x64xf32, #tpu.memory_space<vmem>>, vector<1x16xf32>,
          %get3A_287 = vector.shape_cast %get3A_286 : vector<1x16xf32> to vector<16xf32>
          %add3A_288 = arith.addf %add3A_261, %get3A_287 : vector<16xf32>
          %get3A_289 = arith.index_cast %add3A_278 : i32 to index
          %get3A_290 = arith.constant 32 : index
          %get3A_291 = tpu.vector_load %arg6[%get3A_289, %get3A_290] {strides = array<i32>} : memref<200x64xf32, #tpu.memory_space<vmem>>, vector<1x16xf32>,
          %get3A_292 = vector.shape_cast %get3A_291 : vector<1x16xf32> to vector<16xf32>
          %add3A_293 = arith.addf %add3A_266, %get3A_292 : vector<16xf32>
          %get3A_294 = arith.index_cast %add3A_278 : i32 to index
          %get3A_295 = arith.constant 48 : index
          %get3A_296 = tpu.vector_load %arg6[%get3A_294, %get3A_295] {strides = array<i32>} : memref<200x64xf32, #tpu.memory_space<vmem>>, vector<1x16xf32>,
          %get3A_297 = vector.shape_cast %get3A_296 : vector<1x16xf32> to vector<16xf32>
          %add3A_298 = arith.addf %add3A_271, %get3A_297 : vector<16xf32>
          scf.yield %add3A_283, %add3A_288, %add3A_293, %add3A_298 : vector<16xf32>, vector<16xf32>, vector<16xf32>, vector<16xf32>
        }
        %scan3A_127 = arith.constant 50 : i32
        %mul3A_128 = arith.constant 4 : i32
        %mul3A_129 = arith.muli %add3A_39, %mul3A_128 : i32
        %add3A_130 = arith.addi %mul3A_129, %add3A_118 : i32
        %mul3A_131 = arith.constant 2.000000e-02 : f32
        %mul3A_132 = vector.broadcast %mul3A_131 : f32 to vector<16xf32>
        %mul3A_133 = arith.mulf %scan3A_126#0, %mul3A_132 : vector<16xf32>
        %swap3A = arith.index_cast %add3A_130 : i32 to index
        %swap3A_134 = arith.constant 0 : index
        %swap3A_135 = tpu.vector_load %arg10[%swap3A, %swap3A_134] {strides = array<i32>} : memref<512x64xf32, #tpu.memory_space<vmem>>, vector<1x16xf32>,
        %swap3A_136 = vector.shape_cast %swap3A_135 : vector<1x16xf32> to vector<16xf32>
        %swap3A_137 = vector.shape_cast %mul3A_133 : vector<16xf32> to vector<1x16xf32>
        tpu.vector_store %arg10[%swap3A, %swap3A_134], %swap3A_137 {strides = array<i32>} : memref<512x64xf32, #tpu.memory_space<vmem>>, vector<1x16xf32>,
        %mul3A_138 = arith.constant 2.000000e-02 : f32
        %mul3A_139 = vector.broadcast %mul3A_138 : f32 to vector<16xf32>
        %mul3A_140 = arith.mulf %scan3A_126#1, %mul3A_139 : vector<16xf32>
        %swap3A_141 = arith.index_cast %add3A_130 : i32 to index
        %swap3A_142 = arith.constant 16 : index
        %swap3A_143 = tpu.vector_load %arg10[%swap3A_141, %swap3A_142] {strides = array<i32>} : memref<512x64xf32, #tpu.memory_space<vmem>>, vector<1x16xf32>,
        %swap3A_144 = vector.shape_cast %swap3A_143 : vector<1x16xf32> to vector<16xf32>
        %swap3A_145 = vector.shape_cast %mul3A_140 : vector<16xf32> to vector<1x16xf32>
        tpu.vector_store %arg10[%swap3A_141, %swap3A_142], %swap3A_145 {strides = array<i32>} : memref<512x64xf32, #tpu.memory_space<vmem>>, vector<1x16xf32>,
        %mul3A_146 = arith.constant 2.000000e-02 : f32
        %mul3A_147 = vector.broadcast %mul3A_146 : f32 to vector<16xf32>
        %mul3A_148 = arith.mulf %scan3A_126#2, %mul3A_147 : vector<16xf32>
        %swap3A_149 = arith.index_cast %add3A_130 : i32 to index
        %swap3A_150 = arith.constant 32 : index
        %swap3A_151 = tpu.vector_load %arg10[%swap3A_149, %swap3A_150] {strides = array<i32>} : memref<512x64xf32, #tpu.memory_space<vmem>>, vector<1x16xf32>,
        %swap3A_152 = vector.shape_cast %swap3A_151 : vector<1x16xf32> to vector<16xf32>
        %swap3A_153 = vector.shape_cast %mul3A_148 : vector<16xf32> to vector<1x16xf32>
        tpu.vector_store %arg10[%swap3A_149, %swap3A_150], %swap3A_153 {strides = array<i32>} : memref<512x64xf32, #tpu.memory_space<vmem>>, vector<1x16xf32>,
        %mul3A_154 = arith.constant 2.000000e-02 : f32
        %mul3A_155 = vector.broadcast %mul3A_154 : f32 to vector<16xf32>
        %mul3A_156 = arith.mulf %scan3A_126#3, %mul3A_155 : vector<16xf32>
        %swap3A_157 = arith.index_cast %add3A_130 : i32 to index
        %swap3A_158 = arith.constant 48 : index
        %swap3A_159 = tpu.vector_load %arg10[%swap3A_157, %swap3A_158] {strides = array<i32>} : memref<512x64xf32, #tpu.memory_space<vmem>>, vector<1x16xf32>,
        %swap3A_160 = vector.shape_cast %swap3A_159 : vector<1x16xf32> to vector<16xf32>
        %swap3A_161 = vector.shape_cast %mul3A_156 : vector<16xf32> to vector<1x16xf32>
        tpu.vector_store %arg10[%swap3A_157, %swap3A_158], %swap3A_161 {strides = array<i32>} : memref<512x64xf32, #tpu.memory_space<vmem>>, vector<1x16xf32>,
      }
      %scan3A_49 = arith.constant 4 : i32
      %add3A_50 = arith.constant 4 : i32
      %add3A_51 = arith.addi %add3A_39, %add3A_50 : i32
      %lt3A = arith.constant 128 : i32
      %lt3A_52 = arith.cmpi slt, %add3A_51, %lt3A : i32
      %convert_element_type3A = arith.extui %lt3A_52 : i1 to i32
      %cond3A = arith.constant 0 : i32
      %cond3A_53 = arith.cmpi ne, %convert_element_type3A, %cond3A : i32
      scf.if %cond3A_53 {
        %mul3A_114 = arith.constant 200 : i32
        %mul3A_115 = arith.muli %add3A_51, %mul3A_114 : i32
        %dma_start3A_116 = tpu.memref_slice %arg5[%mul3A_115] : memref<25600xi32, #tpu.memory_space<vmem>> -> memref<200xi32, #tpu.memory_space<vmem>>
        %dma_start3A_117 = arith.constant 0 : i32
        %dma_start3A_118 = arith.constant 0 : i32
        %dma_start3A_119 = tpu.memref_slice %arg3[%dma_start3A_117, %dma_start3A_118] : memref<1015808x64xf32, #tpu.memory_space<hbm>> -> memref<1015808x64xf32, #tpu.memory_space<hbm>>
        tpu.enqueue_indirect_dma source(%dma_start3A_119 : memref<1015808x64xf32, #tpu.memory_space<hbm>>) target(%arg6 : memref<200x64xf32, #tpu.memory_space<vmem>>) offsets(%dma_start3A_116 : memref<200xi32, #tpu.memory_space<vmem>>) semaphore(%arg11 : memref<!tpu.dma_semaphore, #tpu.memory_space<semaphore_mem>>)
      } else {
      }
      %add3A_54 = arith.constant 1 : i32
      %add3A_55 = arith.addi %add3A_37, %add3A_54 : i32
      %mul3A_56 = arith.constant 200 : i32
      %mul3A_57 = arith.muli %add3A_55, %mul3A_56 : i32
      %dma_wait3A_58 = tpu.memref_slice %arg5[%mul3A_57] : memref<25600xi32, #tpu.memory_space<vmem>> -> memref<200xi32, #tpu.memory_space<vmem>>
      %dma_wait3A_59 = arith.constant 0 : i32
      %dma_wait3A_60 = arith.constant 0 : i32
      %dma_wait3A_61 = tpu.memref_slice %arg3[%dma_wait3A_59, %dma_wait3A_60] : memref<1015808x64xf32, #tpu.memory_space<hbm>> -> memref<1015808x64xf32, #tpu.memory_space<hbm>>
      tpu.wait_indirect_dma semaphore(%arg12 : memref<!tpu.dma_semaphore, #tpu.memory_space<semaphore_mem>>) src(%dma_wait3A_61 : memref<1015808x64xf32, #tpu.memory_space<hbm>>) dst(%arg7 : memref<200x64xf32, #tpu.memory_space<vmem>>)
      %scan3A_62 = arith.constant 0 : i32
      %scan3A_63 = arith.constant 4 : i32
      %scan3A_64 = arith.addi %scan3A_62, %scan3A_63 : i32
      %scan3A_65 = arith.constant 1 : i32
      scf.for %scan3A_114 = %scan3A_62 to %scan3A_64 step %scan3A_65  : i32 {
        %mul3A_115 = arith.constant 1 : i32
        %mul3A_116 = arith.muli %scan3A_114, %mul3A_115 : i32
        %add3A_117 = arith.constant 0 : i32
        %add3A_118 = arith.addi %add3A_117, %mul3A_116 : i32
        %mul3A_119 = arith.constant 50 : i32
        %mul3A_120 = arith.muli %add3A_118, %mul3A_119 : i32
        %broadcast_in_dim3A = arith.constant 0.000000e+00 : f32
        %broadcast_in_dim3A_121 = vector.broadcast %broadcast_in_dim3A : f32 to vector<16xf32>
        %scan3A_122 = arith.constant 0 : i32
        %scan3A_123 = arith.constant 50 : i32
        %scan3A_124 = arith.addi %scan3A_122, %scan3A_123 : i32
        %scan3A_125 = arith.constant 5 : i32
        %scan3A_126:4 = scf.for %scan3A_162 = %scan3A_122 to %scan3A_124 step %scan3A_125 iter_args(%scan3A_163 = %broadcast_in_dim3A_121, %scan3A_164 = %broadcast_in_dim3A_121, %scan3A_165 = %broadcast_in_dim3A_121, %scan3A_166 = %broadcast_in_dim3A_121) -> (vector<16xf32>, vector<16xf32>, vector<16xf32>, vector<16xf32>)  : i32 {
          %mul3A_167 = arith.constant 1 : i32
          %mul3A_168 = arith.muli %scan3A_162, %mul3A_167 : i32
          %add3A_169 = arith.constant 0 : i32
          %add3A_170 = arith.addi %add3A_169, %mul3A_168 : i32
          %add3A_171 = arith.addi %mul3A_120, %add3A_170 : i32
          %get3A = arith.index_cast %add3A_171 : i32 to index
          %get3A_172 = arith.constant 0 : index
          %get3A_173 = tpu.vector_load %arg7[%get3A, %get3A_172] {strides = array<i32>} : memref<200x64xf32, #tpu.memory_space<vmem>>, vector<1x16xf32>,
          %get3A_174 = vector.shape_cast %get3A_173 : vector<1x16xf32> to vector<16xf32>
          %add3A_175 = arith.addf %scan3A_163, %get3A_174 : vector<16xf32>
          %get3A_176 = arith.index_cast %add3A_171 : i32 to index
          %get3A_177 = arith.constant 16 : index
          %get3A_178 = tpu.vector_load %arg7[%get3A_176, %get3A_177] {strides = array<i32>} : memref<200x64xf32, #tpu.memory_space<vmem>>, vector<1x16xf32>,
          %get3A_179 = vector.shape_cast %get3A_178 : vector<1x16xf32> to vector<16xf32>
          %add3A_180 = arith.addf %scan3A_164, %get3A_179 : vector<16xf32>
          %get3A_181 = arith.index_cast %add3A_171 : i32 to index
          %get3A_182 = arith.constant 32 : index
          %get3A_183 = tpu.vector_load %arg7[%get3A_181, %get3A_182] {strides = array<i32>} : memref<200x64xf32, #tpu.memory_space<vmem>>, vector<1x16xf32>,
          %get3A_184 = vector.shape_cast %get3A_183 : vector<1x16xf32> to vector<16xf32>
          %add3A_185 = arith.addf %scan3A_165, %get3A_184 : vector<16xf32>
          %get3A_186 = arith.index_cast %add3A_171 : i32 to index
          %get3A_187 = arith.constant 48 : index
          %get3A_188 = tpu.vector_load %arg7[%get3A_186, %get3A_187] {strides = array<i32>} : memref<200x64xf32, #tpu.memory_space<vmem>>, vector<1x16xf32>,
          %get3A_189 = vector.shape_cast %get3A_188 : vector<1x16xf32> to vector<16xf32>
          %add3A_190 = arith.addf %scan3A_166, %get3A_189 : vector<16xf32>
          %scan3A_191 = arith.constant 1 : i32
          %scan3A_192 = arith.addi %scan3A_162, %scan3A_191 : i32
          %mul3A_193 = arith.constant 1 : i32
          %mul3A_194 = arith.muli %scan3A_192, %mul3A_193 : i32
          %add3A_195 = arith.constant 0 : i32
          %add3A_196 = arith.addi %add3A_195, %mul3A_194 : i32
          %add3A_197 = arith.addi %mul3A_120, %add3A_196 : i32
          %get3A_198 = arith.index_cast %add3A_197 : i32 to index
          %get3A_199 = arith.constant 0 : index
          %get3A_200 = tpu.vector_load %arg7[%get3A_198, %get3A_199] {strides = array<i32>} : memref<200x64xf32, #tpu.memory_space<vmem>>, vector<1x16xf32>,
          %get3A_201 = vector.shape_cast %get3A_200 : vector<1x16xf32> to vector<16xf32>
          %add3A_202 = arith.addf %add3A_175, %get3A_201 : vector<16xf32>
          %get3A_203 = arith.index_cast %add3A_197 : i32 to index
          %get3A_204 = arith.constant 16 : index
          %get3A_205 = tpu.vector_load %arg7[%get3A_203, %get3A_204] {strides = array<i32>} : memref<200x64xf32, #tpu.memory_space<vmem>>, vector<1x16xf32>,
          %get3A_206 = vector.shape_cast %get3A_205 : vector<1x16xf32> to vector<16xf32>
          %add3A_207 = arith.addf %add3A_180, %get3A_206 : vector<16xf32>
          %get3A_208 = arith.index_cast %add3A_197 : i32 to index
          %get3A_209 = arith.constant 32 : index
          %get3A_210 = tpu.vector_load %arg7[%get3A_208, %get3A_209] {strides = array<i32>} : memref<200x64xf32, #tpu.memory_space<vmem>>, vector<1x16xf32>,
          %get3A_211 = vector.shape_cast %get3A_210 : vector<1x16xf32> to vector<16xf32>
          %add3A_212 = arith.addf %add3A_185, %get3A_211 : vector<16xf32>
          %get3A_213 = arith.index_cast %add3A_197 : i32 to index
          %get3A_214 = arith.constant 48 : index
          %get3A_215 = tpu.vector_load %arg7[%get3A_213, %get3A_214] {strides = array<i32>} : memref<200x64xf32, #tpu.memory_space<vmem>>, vector<1x16xf32>,
          %get3A_216 = vector.shape_cast %get3A_215 : vector<1x16xf32> to vector<16xf32>
          %add3A_217 = arith.addf %add3A_190, %get3A_216 : vector<16xf32>
          %scan3A_218 = arith.constant 2 : i32
          %scan3A_219 = arith.addi %scan3A_162, %scan3A_218 : i32
          %mul3A_220 = arith.constant 1 : i32
          %mul3A_221 = arith.muli %scan3A_219, %mul3A_220 : i32
          %add3A_222 = arith.constant 0 : i32
          %add3A_223 = arith.addi %add3A_222, %mul3A_221 : i32
          %add3A_224 = arith.addi %mul3A_120, %add3A_223 : i32
          %get3A_225 = arith.index_cast %add3A_224 : i32 to index
          %get3A_226 = arith.constant 0 : index
          %get3A_227 = tpu.vector_load %arg7[%get3A_225, %get3A_226] {strides = array<i32>} : memref<200x64xf32, #tpu.memory_space<vmem>>, vector<1x16xf32>,
          %get3A_228 = vector.shape_cast %get3A_227 : vector<1x16xf32> to vector<16xf32>
          %add3A_229 = arith.addf %add3A_202, %get3A_228 : vector<16xf32>
          %get3A_230 = arith.index_cast %add3A_224 : i32 to index
          %get3A_231 = arith.constant 16 : index
          %get3A_232 = tpu.vector_load %arg7[%get3A_230, %get3A_231] {strides = array<i32>} : memref<200x64xf32, #tpu.memory_space<vmem>>, vector<1x16xf32>,
          %get3A_233 = vector.shape_cast %get3A_232 : vector<1x16xf32> to vector<16xf32>
          %add3A_234 = arith.addf %add3A_207, %get3A_233 : vector<16xf32>
          %get3A_235 = arith.index_cast %add3A_224 : i32 to index
          %get3A_236 = arith.constant 32 : index
          %get3A_237 = tpu.vector_load %arg7[%get3A_235, %get3A_236] {strides = array<i32>} : memref<200x64xf32, #tpu.memory_space<vmem>>, vector<1x16xf32>,
          %get3A_238 = vector.shape_cast %get3A_237 : vector<1x16xf32> to vector<16xf32>
          %add3A_239 = arith.addf %add3A_212, %get3A_238 : vector<16xf32>
          %get3A_240 = arith.index_cast %add3A_224 : i32 to index
          %get3A_241 = arith.constant 48 : index
          %get3A_242 = tpu.vector_load %arg7[%get3A_240, %get3A_241] {strides = array<i32>} : memref<200x64xf32, #tpu.memory_space<vmem>>, vector<1x16xf32>,
          %get3A_243 = vector.shape_cast %get3A_242 : vector<1x16xf32> to vector<16xf32>
          %add3A_244 = arith.addf %add3A_217, %get3A_243 : vector<16xf32>
          %scan3A_245 = arith.constant 3 : i32
          %scan3A_246 = arith.addi %scan3A_162, %scan3A_245 : i32
          %mul3A_247 = arith.constant 1 : i32
          %mul3A_248 = arith.muli %scan3A_246, %mul3A_247 : i32
          %add3A_249 = arith.constant 0 : i32
          %add3A_250 = arith.addi %add3A_249, %mul3A_248 : i32
          %add3A_251 = arith.addi %mul3A_120, %add3A_250 : i32
          %get3A_252 = arith.index_cast %add3A_251 : i32 to index
          %get3A_253 = arith.constant 0 : index
          %get3A_254 = tpu.vector_load %arg7[%get3A_252, %get3A_253] {strides = array<i32>} : memref<200x64xf32, #tpu.memory_space<vmem>>, vector<1x16xf32>,
          %get3A_255 = vector.shape_cast %get3A_254 : vector<1x16xf32> to vector<16xf32>
          %add3A_256 = arith.addf %add3A_229, %get3A_255 : vector<16xf32>
          %get3A_257 = arith.index_cast %add3A_251 : i32 to index
          %get3A_258 = arith.constant 16 : index
          %get3A_259 = tpu.vector_load %arg7[%get3A_257, %get3A_258] {strides = array<i32>} : memref<200x64xf32, #tpu.memory_space<vmem>>, vector<1x16xf32>,
          %get3A_260 = vector.shape_cast %get3A_259 : vector<1x16xf32> to vector<16xf32>
          %add3A_261 = arith.addf %add3A_234, %get3A_260 : vector<16xf32>
          %get3A_262 = arith.index_cast %add3A_251 : i32 to index
          %get3A_263 = arith.constant 32 : index
          %get3A_264 = tpu.vector_load %arg7[%get3A_262, %get3A_263] {strides = array<i32>} : memref<200x64xf32, #tpu.memory_space<vmem>>, vector<1x16xf32>,
          %get3A_265 = vector.shape_cast %get3A_264 : vector<1x16xf32> to vector<16xf32>
          %add3A_266 = arith.addf %add3A_239, %get3A_265 : vector<16xf32>
          %get3A_267 = arith.index_cast %add3A_251 : i32 to index
          %get3A_268 = arith.constant 48 : index
          %get3A_269 = tpu.vector_load %arg7[%get3A_267, %get3A_268] {strides = array<i32>} : memref<200x64xf32, #tpu.memory_space<vmem>>, vector<1x16xf32>,
          %get3A_270 = vector.shape_cast %get3A_269 : vector<1x16xf32> to vector<16xf32>
          %add3A_271 = arith.addf %add3A_244, %get3A_270 : vector<16xf32>
          %scan3A_272 = arith.constant 4 : i32
          %scan3A_273 = arith.addi %scan3A_162, %scan3A_272 : i32
          %mul3A_274 = arith.constant 1 : i32
          %mul3A_275 = arith.muli %scan3A_273, %mul3A_274 : i32
          %add3A_276 = arith.constant 0 : i32
          %add3A_277 = arith.addi %add3A_276, %mul3A_275 : i32
          %add3A_278 = arith.addi %mul3A_120, %add3A_277 : i32
          %get3A_279 = arith.index_cast %add3A_278 : i32 to index
          %get3A_280 = arith.constant 0 : index
          %get3A_281 = tpu.vector_load %arg7[%get3A_279, %get3A_280] {strides = array<i32>} : memref<200x64xf32, #tpu.memory_space<vmem>>, vector<1x16xf32>,
          %get3A_282 = vector.shape_cast %get3A_281 : vector<1x16xf32> to vector<16xf32>
          %add3A_283 = arith.addf %add3A_256, %get3A_282 : vector<16xf32>
          %get3A_284 = arith.index_cast %add3A_278 : i32 to index
          %get3A_285 = arith.constant 16 : index
          %get3A_286 = tpu.vector_load %arg7[%get3A_284, %get3A_285] {strides = array<i32>} : memref<200x64xf32, #tpu.memory_space<vmem>>, vector<1x16xf32>,
          %get3A_287 = vector.shape_cast %get3A_286 : vector<1x16xf32> to vector<16xf32>
          %add3A_288 = arith.addf %add3A_261, %get3A_287 : vector<16xf32>
          %get3A_289 = arith.index_cast %add3A_278 : i32 to index
          %get3A_290 = arith.constant 32 : index
          %get3A_291 = tpu.vector_load %arg7[%get3A_289, %get3A_290] {strides = array<i32>} : memref<200x64xf32, #tpu.memory_space<vmem>>, vector<1x16xf32>,
          %get3A_292 = vector.shape_cast %get3A_291 : vector<1x16xf32> to vector<16xf32>
          %add3A_293 = arith.addf %add3A_266, %get3A_292 : vector<16xf32>
          %get3A_294 = arith.index_cast %add3A_278 : i32 to index
          %get3A_295 = arith.constant 48 : index
          %get3A_296 = tpu.vector_load %arg7[%get3A_294, %get3A_295] {strides = array<i32>} : memref<200x64xf32, #tpu.memory_space<vmem>>, vector<1x16xf32>,
          %get3A_297 = vector.shape_cast %get3A_296 : vector<1x16xf32> to vector<16xf32>
          %add3A_298 = arith.addf %add3A_271, %get3A_297 : vector<16xf32>
          scf.yield %add3A_283, %add3A_288, %add3A_293, %add3A_298 : vector<16xf32>, vector<16xf32>, vector<16xf32>, vector<16xf32>
        }
        %scan3A_127 = arith.constant 50 : i32
        %mul3A_128 = arith.constant 4 : i32
        %mul3A_129 = arith.muli %add3A_55, %mul3A_128 : i32
        %add3A_130 = arith.addi %mul3A_129, %add3A_118 : i32
        %mul3A_131 = arith.constant 2.000000e-02 : f32
        %mul3A_132 = vector.broadcast %mul3A_131 : f32 to vector<16xf32>
        %mul3A_133 = arith.mulf %scan3A_126#0, %mul3A_132 : vector<16xf32>
        %swap3A = arith.index_cast %add3A_130 : i32 to index
        %swap3A_134 = arith.constant 0 : index
        %swap3A_135 = tpu.vector_load %arg10[%swap3A, %swap3A_134] {strides = array<i32>} : memref<512x64xf32, #tpu.memory_space<vmem>>, vector<1x16xf32>,
        %swap3A_136 = vector.shape_cast %swap3A_135 : vector<1x16xf32> to vector<16xf32>
        %swap3A_137 = vector.shape_cast %mul3A_133 : vector<16xf32> to vector<1x16xf32>
        tpu.vector_store %arg10[%swap3A, %swap3A_134], %swap3A_137 {strides = array<i32>} : memref<512x64xf32, #tpu.memory_space<vmem>>, vector<1x16xf32>,
        %mul3A_138 = arith.constant 2.000000e-02 : f32
        %mul3A_139 = vector.broadcast %mul3A_138 : f32 to vector<16xf32>
        %mul3A_140 = arith.mulf %scan3A_126#1, %mul3A_139 : vector<16xf32>
        %swap3A_141 = arith.index_cast %add3A_130 : i32 to index
        %swap3A_142 = arith.constant 16 : index
        %swap3A_143 = tpu.vector_load %arg10[%swap3A_141, %swap3A_142] {strides = array<i32>} : memref<512x64xf32, #tpu.memory_space<vmem>>, vector<1x16xf32>,
        %swap3A_144 = vector.shape_cast %swap3A_143 : vector<1x16xf32> to vector<16xf32>
        %swap3A_145 = vector.shape_cast %mul3A_140 : vector<16xf32> to vector<1x16xf32>
        tpu.vector_store %arg10[%swap3A_141, %swap3A_142], %swap3A_145 {strides = array<i32>} : memref<512x64xf32, #tpu.memory_space<vmem>>, vector<1x16xf32>,
        %mul3A_146 = arith.constant 2.000000e-02 : f32
        %mul3A_147 = vector.broadcast %mul3A_146 : f32 to vector<16xf32>
        %mul3A_148 = arith.mulf %scan3A_126#2, %mul3A_147 : vector<16xf32>
        %swap3A_149 = arith.index_cast %add3A_130 : i32 to index
        %swap3A_150 = arith.constant 32 : index
        %swap3A_151 = tpu.vector_load %arg10[%swap3A_149, %swap3A_150] {strides = array<i32>} : memref<512x64xf32, #tpu.memory_space<vmem>>, vector<1x16xf32>,
        %swap3A_152 = vector.shape_cast %swap3A_151 : vector<1x16xf32> to vector<16xf32>
        %swap3A_153 = vector.shape_cast %mul3A_148 : vector<16xf32> to vector<1x16xf32>
        tpu.vector_store %arg10[%swap3A_149, %swap3A_150], %swap3A_153 {strides = array<i32>} : memref<512x64xf32, #tpu.memory_space<vmem>>, vector<1x16xf32>,
        %mul3A_154 = arith.constant 2.000000e-02 : f32
        %mul3A_155 = vector.broadcast %mul3A_154 : f32 to vector<16xf32>
        %mul3A_156 = arith.mulf %scan3A_126#3, %mul3A_155 : vector<16xf32>
        %swap3A_157 = arith.index_cast %add3A_130 : i32 to index
        %swap3A_158 = arith.constant 48 : index
        %swap3A_159 = tpu.vector_load %arg10[%swap3A_157, %swap3A_158] {strides = array<i32>} : memref<512x64xf32, #tpu.memory_space<vmem>>, vector<1x16xf32>,
        %swap3A_160 = vector.shape_cast %swap3A_159 : vector<1x16xf32> to vector<16xf32>
        %swap3A_161 = vector.shape_cast %mul3A_156 : vector<16xf32> to vector<1x16xf32>
        tpu.vector_store %arg10[%swap3A_157, %swap3A_158], %swap3A_161 {strides = array<i32>} : memref<512x64xf32, #tpu.memory_space<vmem>>, vector<1x16xf32>,
      }
      %scan3A_66 = arith.constant 4 : i32
      %add3A_67 = arith.constant 4 : i32
      %add3A_68 = arith.addi %add3A_55, %add3A_67 : i32
      %lt3A_69 = arith.constant 128 : i32
      %lt3A_70 = arith.cmpi slt, %add3A_68, %lt3A_69 : i32
      %convert_element_type3A_71 = arith.extui %lt3A_70 : i1 to i32
      %cond3A_72 = arith.constant 0 : i32
      %cond3A_73 = arith.cmpi ne, %convert_element_type3A_71, %cond3A_72 : i32
      scf.if %cond3A_73 {
        %mul3A_114 = arith.constant 200 : i32
        %mul3A_115 = arith.muli %add3A_68, %mul3A_114 : i32
        %dma_start3A_116 = tpu.memref_slice %arg5[%mul3A_115] : memref<25600xi32, #tpu.memory_space<vmem>> -> memref<200xi32, #tpu.memory_space<vmem>>
        %dma_start3A_117 = arith.constant 0 : i32
        %dma_start3A_118 = arith.constant 0 : i32
        %dma_start3A_119 = tpu.memref_slice %arg3[%dma_start3A_117, %dma_start3A_118] : memref<1015808x64xf32, #tpu.memory_space<hbm>> -> memref<1015808x64xf32, #tpu.memory_space<hbm>>
        tpu.enqueue_indirect_dma source(%dma_start3A_119 : memref<1015808x64xf32, #tpu.memory_space<hbm>>) target(%arg7 : memref<200x64xf32, #tpu.memory_space<vmem>>) offsets(%dma_start3A_116 : memref<200xi32, #tpu.memory_space<vmem>>) semaphore(%arg12 : memref<!tpu.dma_semaphore, #tpu.memory_space<semaphore_mem>>)
      } else {
      }
      %add3A_74 = arith.constant 2 : i32
      %add3A_75 = arith.addi %add3A_37, %add3A_74 : i32
      %mul3A_76 = arith.constant 200 : i32
      %mul3A_77 = arith.muli %add3A_75, %mul3A_76 : i32
      %dma_wait3A_78 = tpu.memref_slice %arg5[%mul3A_77] : memref<25600xi32, #tpu.memory_space<vmem>> -> memref<200xi32, #tpu.memory_space<vmem>>
      %dma_wait3A_79 = arith.constant 0 : i32
      %dma_wait3A_80 = arith.constant 0 : i32
      %dma_wait3A_81 = tpu.memref_slice %arg3[%dma_wait3A_79, %dma_wait3A_80] : memref<1015808x64xf32, #tpu.memory_space<hbm>> -> memref<1015808x64xf32, #tpu.memory_space<hbm>>
      tpu.wait_indirect_dma semaphore(%arg13 : memref<!tpu.dma_semaphore, #tpu.memory_space<semaphore_mem>>) src(%dma_wait3A_81 : memref<1015808x64xf32, #tpu.memory_space<hbm>>) dst(%arg8 : memref<200x64xf32, #tpu.memory_space<vmem>>)
      %scan3A_82 = arith.constant 0 : i32
      %scan3A_83 = arith.constant 4 : i32
      %scan3A_84 = arith.addi %scan3A_82, %scan3A_83 : i32
      %scan3A_85 = arith.constant 1 : i32
      scf.for %scan3A_114 = %scan3A_82 to %scan3A_84 step %scan3A_85  : i32 {
        %mul3A_115 = arith.constant 1 : i32
        %mul3A_116 = arith.muli %scan3A_114, %mul3A_115 : i32
        %add3A_117 = arith.constant 0 : i32
        %add3A_118 = arith.addi %add3A_117, %mul3A_116 : i32
        %mul3A_119 = arith.constant 50 : i32
        %mul3A_120 = arith.muli %add3A_118, %mul3A_119 : i32
        %broadcast_in_dim3A = arith.constant 0.000000e+00 : f32
        %broadcast_in_dim3A_121 = vector.broadcast %broadcast_in_dim3A : f32 to vector<16xf32>
        %scan3A_122 = arith.constant 0 : i32
        %scan3A_123 = arith.constant 50 : i32
        %scan3A_124 = arith.addi %scan3A_122, %scan3A_123 : i32
        %scan3A_125 = arith.constant 5 : i32
        %scan3A_126:4 = scf.for %scan3A_162 = %scan3A_122 to %scan3A_124 step %scan3A_125 iter_args(%scan3A_163 = %broadcast_in_dim3A_121, %scan3A_164 = %broadcast_in_dim3A_121, %scan3A_165 = %broadcast_in_dim3A_121, %scan3A_166 = %broadcast_in_dim3A_121) -> (vector<16xf32>, vector<16xf32>, vector<16xf32>, vector<16xf32>)  : i32 {
          %mul3A_167 = arith.constant 1 : i32
          %mul3A_168 = arith.muli %scan3A_162, %mul3A_167 : i32
          %add3A_169 = arith.constant 0 : i32
          %add3A_170 = arith.addi %add3A_169, %mul3A_168 : i32
          %add3A_171 = arith.addi %mul3A_120, %add3A_170 : i32
          %get3A = arith.index_cast %add3A_171 : i32 to index
          %get3A_172 = arith.constant 0 : index
          %get3A_173 = tpu.vector_load %arg8[%get3A, %get3A_172] {strides = array<i32>} : memref<200x64xf32, #tpu.memory_space<vmem>>, vector<1x16xf32>,
          %get3A_174 = vector.shape_cast %get3A_173 : vector<1x16xf32> to vector<16xf32>
          %add3A_175 = arith.addf %scan3A_163, %get3A_174 : vector<16xf32>
          %get3A_176 = arith.index_cast %add3A_171 : i32 to index
          %get3A_177 = arith.constant 16 : index
          %get3A_178 = tpu.vector_load %arg8[%get3A_176, %get3A_177] {strides = array<i32>} : memref<200x64xf32, #tpu.memory_space<vmem>>, vector<1x16xf32>,
          %get3A_179 = vector.shape_cast %get3A_178 : vector<1x16xf32> to vector<16xf32>
          %add3A_180 = arith.addf %scan3A_164, %get3A_179 : vector<16xf32>
          %get3A_181 = arith.index_cast %add3A_171 : i32 to index
          %get3A_182 = arith.constant 32 : index
          %get3A_183 = tpu.vector_load %arg8[%get3A_181, %get3A_182] {strides = array<i32>} : memref<200x64xf32, #tpu.memory_space<vmem>>, vector<1x16xf32>,
          %get3A_184 = vector.shape_cast %get3A_183 : vector<1x16xf32> to vector<16xf32>
          %add3A_185 = arith.addf %scan3A_165, %get3A_184 : vector<16xf32>
          %get3A_186 = arith.index_cast %add3A_171 : i32 to index
          %get3A_187 = arith.constant 48 : index
          %get3A_188 = tpu.vector_load %arg8[%get3A_186, %get3A_187] {strides = array<i32>} : memref<200x64xf32, #tpu.memory_space<vmem>>, vector<1x16xf32>,
          %get3A_189 = vector.shape_cast %get3A_188 : vector<1x16xf32> to vector<16xf32>
          %add3A_190 = arith.addf %scan3A_166, %get3A_189 : vector<16xf32>
          %scan3A_191 = arith.constant 1 : i32
          %scan3A_192 = arith.addi %scan3A_162, %scan3A_191 : i32
          %mul3A_193 = arith.constant 1 : i32
          %mul3A_194 = arith.muli %scan3A_192, %mul3A_193 : i32
          %add3A_195 = arith.constant 0 : i32
          %add3A_196 = arith.addi %add3A_195, %mul3A_194 : i32
          %add3A_197 = arith.addi %mul3A_120, %add3A_196 : i32
          %get3A_198 = arith.index_cast %add3A_197 : i32 to index
          %get3A_199 = arith.constant 0 : index
          %get3A_200 = tpu.vector_load %arg8[%get3A_198, %get3A_199] {strides = array<i32>} : memref<200x64xf32, #tpu.memory_space<vmem>>, vector<1x16xf32>,
          %get3A_201 = vector.shape_cast %get3A_200 : vector<1x16xf32> to vector<16xf32>
          %add3A_202 = arith.addf %add3A_175, %get3A_201 : vector<16xf32>
          %get3A_203 = arith.index_cast %add3A_197 : i32 to index
          %get3A_204 = arith.constant 16 : index
          %get3A_205 = tpu.vector_load %arg8[%get3A_203, %get3A_204] {strides = array<i32>} : memref<200x64xf32, #tpu.memory_space<vmem>>, vector<1x16xf32>,
          %get3A_206 = vector.shape_cast %get3A_205 : vector<1x16xf32> to vector<16xf32>
          %add3A_207 = arith.addf %add3A_180, %get3A_206 : vector<16xf32>
          %get3A_208 = arith.index_cast %add3A_197 : i32 to index
          %get3A_209 = arith.constant 32 : index
          %get3A_210 = tpu.vector_load %arg8[%get3A_208, %get3A_209] {strides = array<i32>} : memref<200x64xf32, #tpu.memory_space<vmem>>, vector<1x16xf32>,
          %get3A_211 = vector.shape_cast %get3A_210 : vector<1x16xf32> to vector<16xf32>
          %add3A_212 = arith.addf %add3A_185, %get3A_211 : vector<16xf32>
          %get3A_213 = arith.index_cast %add3A_197 : i32 to index
          %get3A_214 = arith.constant 48 : index
          %get3A_215 = tpu.vector_load %arg8[%get3A_213, %get3A_214] {strides = array<i32>} : memref<200x64xf32, #tpu.memory_space<vmem>>, vector<1x16xf32>,
          %get3A_216 = vector.shape_cast %get3A_215 : vector<1x16xf32> to vector<16xf32>
          %add3A_217 = arith.addf %add3A_190, %get3A_216 : vector<16xf32>
          %scan3A_218 = arith.constant 2 : i32
          %scan3A_219 = arith.addi %scan3A_162, %scan3A_218 : i32
          %mul3A_220 = arith.constant 1 : i32
          %mul3A_221 = arith.muli %scan3A_219, %mul3A_220 : i32
          %add3A_222 = arith.constant 0 : i32
          %add3A_223 = arith.addi %add3A_222, %mul3A_221 : i32
          %add3A_224 = arith.addi %mul3A_120, %add3A_223 : i32
          %get3A_225 = arith.index_cast %add3A_224 : i32 to index
          %get3A_226 = arith.constant 0 : index
          %get3A_227 = tpu.vector_load %arg8[%get3A_225, %get3A_226] {strides = array<i32>} : memref<200x64xf32, #tpu.memory_space<vmem>>, vector<1x16xf32>,
          %get3A_228 = vector.shape_cast %get3A_227 : vector<1x16xf32> to vector<16xf32>
          %add3A_229 = arith.addf %add3A_202, %get3A_228 : vector<16xf32>
          %get3A_230 = arith.index_cast %add3A_224 : i32 to index
          %get3A_231 = arith.constant 16 : index
          %get3A_232 = tpu.vector_load %arg8[%get3A_230, %get3A_231] {strides = array<i32>} : memref<200x64xf32, #tpu.memory_space<vmem>>, vector<1x16xf32>,
          %get3A_233 = vector.shape_cast %get3A_232 : vector<1x16xf32> to vector<16xf32>
          %add3A_234 = arith.addf %add3A_207, %get3A_233 : vector<16xf32>
          %get3A_235 = arith.index_cast %add3A_224 : i32 to index
          %get3A_236 = arith.constant 32 : index
          %get3A_237 = tpu.vector_load %arg8[%get3A_235, %get3A_236] {strides = array<i32>} : memref<200x64xf32, #tpu.memory_space<vmem>>, vector<1x16xf32>,
          %get3A_238 = vector.shape_cast %get3A_237 : vector<1x16xf32> to vector<16xf32>
          %add3A_239 = arith.addf %add3A_212, %get3A_238 : vector<16xf32>
          %get3A_240 = arith.index_cast %add3A_224 : i32 to index
          %get3A_241 = arith.constant 48 : index
          %get3A_242 = tpu.vector_load %arg8[%get3A_240, %get3A_241] {strides = array<i32>} : memref<200x64xf32, #tpu.memory_space<vmem>>, vector<1x16xf32>,
          %get3A_243 = vector.shape_cast %get3A_242 : vector<1x16xf32> to vector<16xf32>
          %add3A_244 = arith.addf %add3A_217, %get3A_243 : vector<16xf32>
          %scan3A_245 = arith.constant 3 : i32
          %scan3A_246 = arith.addi %scan3A_162, %scan3A_245 : i32
          %mul3A_247 = arith.constant 1 : i32
          %mul3A_248 = arith.muli %scan3A_246, %mul3A_247 : i32
          %add3A_249 = arith.constant 0 : i32
          %add3A_250 = arith.addi %add3A_249, %mul3A_248 : i32
          %add3A_251 = arith.addi %mul3A_120, %add3A_250 : i32
          %get3A_252 = arith.index_cast %add3A_251 : i32 to index
          %get3A_253 = arith.constant 0 : index
          %get3A_254 = tpu.vector_load %arg8[%get3A_252, %get3A_253] {strides = array<i32>} : memref<200x64xf32, #tpu.memory_space<vmem>>, vector<1x16xf32>,
          %get3A_255 = vector.shape_cast %get3A_254 : vector<1x16xf32> to vector<16xf32>
          %add3A_256 = arith.addf %add3A_229, %get3A_255 : vector<16xf32>
          %get3A_257 = arith.index_cast %add3A_251 : i32 to index
          %get3A_258 = arith.constant 16 : index
          %get3A_259 = tpu.vector_load %arg8[%get3A_257, %get3A_258] {strides = array<i32>} : memref<200x64xf32, #tpu.memory_space<vmem>>, vector<1x16xf32>,
          %get3A_260 = vector.shape_cast %get3A_259 : vector<1x16xf32> to vector<16xf32>
          %add3A_261 = arith.addf %add3A_234, %get3A_260 : vector<16xf32>
          %get3A_262 = arith.index_cast %add3A_251 : i32 to index
          %get3A_263 = arith.constant 32 : index
          %get3A_264 = tpu.vector_load %arg8[%get3A_262, %get3A_263] {strides = array<i32>} : memref<200x64xf32, #tpu.memory_space<vmem>>, vector<1x16xf32>,
          %get3A_265 = vector.shape_cast %get3A_264 : vector<1x16xf32> to vector<16xf32>
          %add3A_266 = arith.addf %add3A_239, %get3A_265 : vector<16xf32>
          %get3A_267 = arith.index_cast %add3A_251 : i32 to index
          %get3A_268 = arith.constant 48 : index
          %get3A_269 = tpu.vector_load %arg8[%get3A_267, %get3A_268] {strides = array<i32>} : memref<200x64xf32, #tpu.memory_space<vmem>>, vector<1x16xf32>,
          %get3A_270 = vector.shape_cast %get3A_269 : vector<1x16xf32> to vector<16xf32>
          %add3A_271 = arith.addf %add3A_244, %get3A_270 : vector<16xf32>
          %scan3A_272 = arith.constant 4 : i32
          %scan3A_273 = arith.addi %scan3A_162, %scan3A_272 : i32
          %mul3A_274 = arith.constant 1 : i32
          %mul3A_275 = arith.muli %scan3A_273, %mul3A_274 : i32
          %add3A_276 = arith.constant 0 : i32
          %add3A_277 = arith.addi %add3A_276, %mul3A_275 : i32
          %add3A_278 = arith.addi %mul3A_120, %add3A_277 : i32
          %get3A_279 = arith.index_cast %add3A_278 : i32 to index
          %get3A_280 = arith.constant 0 : index
          %get3A_281 = tpu.vector_load %arg8[%get3A_279, %get3A_280] {strides = array<i32>} : memref<200x64xf32, #tpu.memory_space<vmem>>, vector<1x16xf32>,
          %get3A_282 = vector.shape_cast %get3A_281 : vector<1x16xf32> to vector<16xf32>
          %add3A_283 = arith.addf %add3A_256, %get3A_282 : vector<16xf32>
          %get3A_284 = arith.index_cast %add3A_278 : i32 to index
          %get3A_285 = arith.constant 16 : index
          %get3A_286 = tpu.vector_load %arg8[%get3A_284, %get3A_285] {strides = array<i32>} : memref<200x64xf32, #tpu.memory_space<vmem>>, vector<1x16xf32>,
          %get3A_287 = vector.shape_cast %get3A_286 : vector<1x16xf32> to vector<16xf32>
          %add3A_288 = arith.addf %add3A_261, %get3A_287 : vector<16xf32>
          %get3A_289 = arith.index_cast %add3A_278 : i32 to index
          %get3A_290 = arith.constant 32 : index
          %get3A_291 = tpu.vector_load %arg8[%get3A_289, %get3A_290] {strides = array<i32>} : memref<200x64xf32, #tpu.memory_space<vmem>>, vector<1x16xf32>,
          %get3A_292 = vector.shape_cast %get3A_291 : vector<1x16xf32> to vector<16xf32>
          %add3A_293 = arith.addf %add3A_266, %get3A_292 : vector<16xf32>
          %get3A_294 = arith.index_cast %add3A_278 : i32 to index
          %get3A_295 = arith.constant 48 : index
          %get3A_296 = tpu.vector_load %arg8[%get3A_294, %get3A_295] {strides = array<i32>} : memref<200x64xf32, #tpu.memory_space<vmem>>, vector<1x16xf32>,
          %get3A_297 = vector.shape_cast %get3A_296 : vector<1x16xf32> to vector<16xf32>
          %add3A_298 = arith.addf %add3A_271, %get3A_297 : vector<16xf32>
          scf.yield %add3A_283, %add3A_288, %add3A_293, %add3A_298 : vector<16xf32>, vector<16xf32>, vector<16xf32>, vector<16xf32>
        }
        %scan3A_127 = arith.constant 50 : i32
        %mul3A_128 = arith.constant 4 : i32
        %mul3A_129 = arith.muli %add3A_75, %mul3A_128 : i32
        %add3A_130 = arith.addi %mul3A_129, %add3A_118 : i32
        %mul3A_131 = arith.constant 2.000000e-02 : f32
        %mul3A_132 = vector.broadcast %mul3A_131 : f32 to vector<16xf32>
        %mul3A_133 = arith.mulf %scan3A_126#0, %mul3A_132 : vector<16xf32>
        %swap3A = arith.index_cast %add3A_130 : i32 to index
        %swap3A_134 = arith.constant 0 : index
        %swap3A_135 = tpu.vector_load %arg10[%swap3A, %swap3A_134] {strides = array<i32>} : memref<512x64xf32, #tpu.memory_space<vmem>>, vector<1x16xf32>,
        %swap3A_136 = vector.shape_cast %swap3A_135 : vector<1x16xf32> to vector<16xf32>
        %swap3A_137 = vector.shape_cast %mul3A_133 : vector<16xf32> to vector<1x16xf32>
        tpu.vector_store %arg10[%swap3A, %swap3A_134], %swap3A_137 {strides = array<i32>} : memref<512x64xf32, #tpu.memory_space<vmem>>, vector<1x16xf32>,
        %mul3A_138 = arith.constant 2.000000e-02 : f32
        %mul3A_139 = vector.broadcast %mul3A_138 : f32 to vector<16xf32>
        %mul3A_140 = arith.mulf %scan3A_126#1, %mul3A_139 : vector<16xf32>
        %swap3A_141 = arith.index_cast %add3A_130 : i32 to index
        %swap3A_142 = arith.constant 16 : index
        %swap3A_143 = tpu.vector_load %arg10[%swap3A_141, %swap3A_142] {strides = array<i32>} : memref<512x64xf32, #tpu.memory_space<vmem>>, vector<1x16xf32>,
        %swap3A_144 = vector.shape_cast %swap3A_143 : vector<1x16xf32> to vector<16xf32>
        %swap3A_145 = vector.shape_cast %mul3A_140 : vector<16xf32> to vector<1x16xf32>
        tpu.vector_store %arg10[%swap3A_141, %swap3A_142], %swap3A_145 {strides = array<i32>} : memref<512x64xf32, #tpu.memory_space<vmem>>, vector<1x16xf32>,
        %mul3A_146 = arith.constant 2.000000e-02 : f32
        %mul3A_147 = vector.broadcast %mul3A_146 : f32 to vector<16xf32>
        %mul3A_148 = arith.mulf %scan3A_126#2, %mul3A_147 : vector<16xf32>
        %swap3A_149 = arith.index_cast %add3A_130 : i32 to index
        %swap3A_150 = arith.constant 32 : index
        %swap3A_151 = tpu.vector_load %arg10[%swap3A_149, %swap3A_150] {strides = array<i32>} : memref<512x64xf32, #tpu.memory_space<vmem>>, vector<1x16xf32>,
        %swap3A_152 = vector.shape_cast %swap3A_151 : vector<1x16xf32> to vector<16xf32>
        %swap3A_153 = vector.shape_cast %mul3A_148 : vector<16xf32> to vector<1x16xf32>
        tpu.vector_store %arg10[%swap3A_149, %swap3A_150], %swap3A_153 {strides = array<i32>} : memref<512x64xf32, #tpu.memory_space<vmem>>, vector<1x16xf32>,
        %mul3A_154 = arith.constant 2.000000e-02 : f32
        %mul3A_155 = vector.broadcast %mul3A_154 : f32 to vector<16xf32>
        %mul3A_156 = arith.mulf %scan3A_126#3, %mul3A_155 : vector<16xf32>
        %swap3A_157 = arith.index_cast %add3A_130 : i32 to index
        %swap3A_158 = arith.constant 48 : index
        %swap3A_159 = tpu.vector_load %arg10[%swap3A_157, %swap3A_158] {strides = array<i32>} : memref<512x64xf32, #tpu.memory_space<vmem>>, vector<1x16xf32>,
        %swap3A_160 = vector.shape_cast %swap3A_159 : vector<1x16xf32> to vector<16xf32>
        %swap3A_161 = vector.shape_cast %mul3A_156 : vector<16xf32> to vector<1x16xf32>
        tpu.vector_store %arg10[%swap3A_157, %swap3A_158], %swap3A_161 {strides = array<i32>} : memref<512x64xf32, #tpu.memory_space<vmem>>, vector<1x16xf32>,
      }
      %scan3A_86 = arith.constant 4 : i32
      %add3A_87 = arith.constant 4 : i32
      %add3A_88 = arith.addi %add3A_75, %add3A_87 : i32
      %lt3A_89 = arith.constant 128 : i32
      %lt3A_90 = arith.cmpi slt, %add3A_88, %lt3A_89 : i32
      %convert_element_type3A_91 = arith.extui %lt3A_90 : i1 to i32
      %cond3A_92 = arith.constant 0 : i32
      %cond3A_93 = arith.cmpi ne, %convert_element_type3A_91, %cond3A_92 : i32
      scf.if %cond3A_93 {
        %mul3A_114 = arith.constant 200 : i32
        %mul3A_115 = arith.muli %add3A_88, %mul3A_114 : i32
        %dma_start3A_116 = tpu.memref_slice %arg5[%mul3A_115] : memref<25600xi32, #tpu.memory_space<vmem>> -> memref<200xi32, #tpu.memory_space<vmem>>
        %dma_start3A_117 = arith.constant 0 : i32
        %dma_start3A_118 = arith.constant 0 : i32
        %dma_start3A_119 = tpu.memref_slice %arg3[%dma_start3A_117, %dma_start3A_118] : memref<1015808x64xf32, #tpu.memory_space<hbm>> -> memref<1015808x64xf32, #tpu.memory_space<hbm>>
        tpu.enqueue_indirect_dma source(%dma_start3A_119 : memref<1015808x64xf32, #tpu.memory_space<hbm>>) target(%arg8 : memref<200x64xf32, #tpu.memory_space<vmem>>) offsets(%dma_start3A_116 : memref<200xi32, #tpu.memory_space<vmem>>) semaphore(%arg13 : memref<!tpu.dma_semaphore, #tpu.memory_space<semaphore_mem>>)
      } else {
      }
      %add3A_94 = arith.constant 3 : i32
      %add3A_95 = arith.addi %add3A_37, %add3A_94 : i32
      %mul3A_96 = arith.constant 200 : i32
      %mul3A_97 = arith.muli %add3A_95, %mul3A_96 : i32
      %dma_wait3A_98 = tpu.memref_slice %arg5[%mul3A_97] : memref<25600xi32, #tpu.memory_space<vmem>> -> memref<200xi32, #tpu.memory_space<vmem>>
      %dma_wait3A_99 = arith.constant 0 : i32
      %dma_wait3A_100 = arith.constant 0 : i32
      %dma_wait3A_101 = tpu.memref_slice %arg3[%dma_wait3A_99, %dma_wait3A_100] : memref<1015808x64xf32, #tpu.memory_space<hbm>> -> memref<1015808x64xf32, #tpu.memory_space<hbm>>
      tpu.wait_indirect_dma semaphore(%arg14 : memref<!tpu.dma_semaphore, #tpu.memory_space<semaphore_mem>>) src(%dma_wait3A_101 : memref<1015808x64xf32, #tpu.memory_space<hbm>>) dst(%arg9 : memref<200x64xf32, #tpu.memory_space<vmem>>)
      %scan3A_102 = arith.constant 0 : i32
      %scan3A_103 = arith.constant 4 : i32
      %scan3A_104 = arith.addi %scan3A_102, %scan3A_103 : i32
      %scan3A_105 = arith.constant 1 : i32
      scf.for %scan3A_114 = %scan3A_102 to %scan3A_104 step %scan3A_105  : i32 {
        %mul3A_115 = arith.constant 1 : i32
        %mul3A_116 = arith.muli %scan3A_114, %mul3A_115 : i32
        %add3A_117 = arith.constant 0 : i32
        %add3A_118 = arith.addi %add3A_117, %mul3A_116 : i32
        %mul3A_119 = arith.constant 50 : i32
        %mul3A_120 = arith.muli %add3A_118, %mul3A_119 : i32
        %broadcast_in_dim3A = arith.constant 0.000000e+00 : f32
        %broadcast_in_dim3A_121 = vector.broadcast %broadcast_in_dim3A : f32 to vector<16xf32>
        %scan3A_122 = arith.constant 0 : i32
        %scan3A_123 = arith.constant 50 : i32
        %scan3A_124 = arith.addi %scan3A_122, %scan3A_123 : i32
        %scan3A_125 = arith.constant 5 : i32
        %scan3A_126:4 = scf.for %scan3A_162 = %scan3A_122 to %scan3A_124 step %scan3A_125 iter_args(%scan3A_163 = %broadcast_in_dim3A_121, %scan3A_164 = %broadcast_in_dim3A_121, %scan3A_165 = %broadcast_in_dim3A_121, %scan3A_166 = %broadcast_in_dim3A_121) -> (vector<16xf32>, vector<16xf32>, vector<16xf32>, vector<16xf32>)  : i32 {
          %mul3A_167 = arith.constant 1 : i32
          %mul3A_168 = arith.muli %scan3A_162, %mul3A_167 : i32
          %add3A_169 = arith.constant 0 : i32
          %add3A_170 = arith.addi %add3A_169, %mul3A_168 : i32
          %add3A_171 = arith.addi %mul3A_120, %add3A_170 : i32
          %get3A = arith.index_cast %add3A_171 : i32 to index
          %get3A_172 = arith.constant 0 : index
          %get3A_173 = tpu.vector_load %arg9[%get3A, %get3A_172] {strides = array<i32>} : memref<200x64xf32, #tpu.memory_space<vmem>>, vector<1x16xf32>,
          %get3A_174 = vector.shape_cast %get3A_173 : vector<1x16xf32> to vector<16xf32>
          %add3A_175 = arith.addf %scan3A_163, %get3A_174 : vector<16xf32>
          %get3A_176 = arith.index_cast %add3A_171 : i32 to index
          %get3A_177 = arith.constant 16 : index
          %get3A_178 = tpu.vector_load %arg9[%get3A_176, %get3A_177] {strides = array<i32>} : memref<200x64xf32, #tpu.memory_space<vmem>>, vector<1x16xf32>,
          %get3A_179 = vector.shape_cast %get3A_178 : vector<1x16xf32> to vector<16xf32>
          %add3A_180 = arith.addf %scan3A_164, %get3A_179 : vector<16xf32>
          %get3A_181 = arith.index_cast %add3A_171 : i32 to index
          %get3A_182 = arith.constant 32 : index
          %get3A_183 = tpu.vector_load %arg9[%get3A_181, %get3A_182] {strides = array<i32>} : memref<200x64xf32, #tpu.memory_space<vmem>>, vector<1x16xf32>,
          %get3A_184 = vector.shape_cast %get3A_183 : vector<1x16xf32> to vector<16xf32>
          %add3A_185 = arith.addf %scan3A_165, %get3A_184 : vector<16xf32>
          %get3A_186 = arith.index_cast %add3A_171 : i32 to index
          %get3A_187 = arith.constant 48 : index
          %get3A_188 = tpu.vector_load %arg9[%get3A_186, %get3A_187] {strides = array<i32>} : memref<200x64xf32, #tpu.memory_space<vmem>>, vector<1x16xf32>,
          %get3A_189 = vector.shape_cast %get3A_188 : vector<1x16xf32> to vector<16xf32>
          %add3A_190 = arith.addf %scan3A_166, %get3A_189 : vector<16xf32>
          %scan3A_191 = arith.constant 1 : i32
          %scan3A_192 = arith.addi %scan3A_162, %scan3A_191 : i32
          %mul3A_193 = arith.constant 1 : i32
          %mul3A_194 = arith.muli %scan3A_192, %mul3A_193 : i32
          %add3A_195 = arith.constant 0 : i32
          %add3A_196 = arith.addi %add3A_195, %mul3A_194 : i32
          %add3A_197 = arith.addi %mul3A_120, %add3A_196 : i32
          %get3A_198 = arith.index_cast %add3A_197 : i32 to index
          %get3A_199 = arith.constant 0 : index
          %get3A_200 = tpu.vector_load %arg9[%get3A_198, %get3A_199] {strides = array<i32>} : memref<200x64xf32, #tpu.memory_space<vmem>>, vector<1x16xf32>,
          %get3A_201 = vector.shape_cast %get3A_200 : vector<1x16xf32> to vector<16xf32>
          %add3A_202 = arith.addf %add3A_175, %get3A_201 : vector<16xf32>
          %get3A_203 = arith.index_cast %add3A_197 : i32 to index
          %get3A_204 = arith.constant 16 : index
          %get3A_205 = tpu.vector_load %arg9[%get3A_203, %get3A_204] {strides = array<i32>} : memref<200x64xf32, #tpu.memory_space<vmem>>, vector<1x16xf32>,
          %get3A_206 = vector.shape_cast %get3A_205 : vector<1x16xf32> to vector<16xf32>
          %add3A_207 = arith.addf %add3A_180, %get3A_206 : vector<16xf32>
          %get3A_208 = arith.index_cast %add3A_197 : i32 to index
          %get3A_209 = arith.constant 32 : index
          %get3A_210 = tpu.vector_load %arg9[%get3A_208, %get3A_209] {strides = array<i32>} : memref<200x64xf32, #tpu.memory_space<vmem>>, vector<1x16xf32>,
          %get3A_211 = vector.shape_cast %get3A_210 : vector<1x16xf32> to vector<16xf32>
          %add3A_212 = arith.addf %add3A_185, %get3A_211 : vector<16xf32>
          %get3A_213 = arith.index_cast %add3A_197 : i32 to index
          %get3A_214 = arith.constant 48 : index
          %get3A_215 = tpu.vector_load %arg9[%get3A_213, %get3A_214] {strides = array<i32>} : memref<200x64xf32, #tpu.memory_space<vmem>>, vector<1x16xf32>,
          %get3A_216 = vector.shape_cast %get3A_215 : vector<1x16xf32> to vector<16xf32>
          %add3A_217 = arith.addf %add3A_190, %get3A_216 : vector<16xf32>
          %scan3A_218 = arith.constant 2 : i32
          %scan3A_219 = arith.addi %scan3A_162, %scan3A_218 : i32
          %mul3A_220 = arith.constant 1 : i32
          %mul3A_221 = arith.muli %scan3A_219, %mul3A_220 : i32
          %add3A_222 = arith.constant 0 : i32
          %add3A_223 = arith.addi %add3A_222, %mul3A_221 : i32
          %add3A_224 = arith.addi %mul3A_120, %add3A_223 : i32
          %get3A_225 = arith.index_cast %add3A_224 : i32 to index
          %get3A_226 = arith.constant 0 : index
          %get3A_227 = tpu.vector_load %arg9[%get3A_225, %get3A_226] {strides = array<i32>} : memref<200x64xf32, #tpu.memory_space<vmem>>, vector<1x16xf32>,
          %get3A_228 = vector.shape_cast %get3A_227 : vector<1x16xf32> to vector<16xf32>
          %add3A_229 = arith.addf %add3A_202, %get3A_228 : vector<16xf32>
          %get3A_230 = arith.index_cast %add3A_224 : i32 to index
          %get3A_231 = arith.constant 16 : index
          %get3A_232 = tpu.vector_load %arg9[%get3A_230, %get3A_231] {strides = array<i32>} : memref<200x64xf32, #tpu.memory_space<vmem>>, vector<1x16xf32>,
          %get3A_233 = vector.shape_cast %get3A_232 : vector<1x16xf32> to vector<16xf32>
          %add3A_234 = arith.addf %add3A_207, %get3A_233 : vector<16xf32>
          %get3A_235 = arith.index_cast %add3A_224 : i32 to index
          %get3A_236 = arith.constant 32 : index
          %get3A_237 = tpu.vector_load %arg9[%get3A_235, %get3A_236] {strides = array<i32>} : memref<200x64xf32, #tpu.memory_space<vmem>>, vector<1x16xf32>,
          %get3A_238 = vector.shape_cast %get3A_237 : vector<1x16xf32> to vector<16xf32>
          %add3A_239 = arith.addf %add3A_212, %get3A_238 : vector<16xf32>
          %get3A_240 = arith.index_cast %add3A_224 : i32 to index
          %get3A_241 = arith.constant 48 : index
          %get3A_242 = tpu.vector_load %arg9[%get3A_240, %get3A_241] {strides = array<i32>} : memref<200x64xf32, #tpu.memory_space<vmem>>, vector<1x16xf32>,
          %get3A_243 = vector.shape_cast %get3A_242 : vector<1x16xf32> to vector<16xf32>
          %add3A_244 = arith.addf %add3A_217, %get3A_243 : vector<16xf32>
          %scan3A_245 = arith.constant 3 : i32
          %scan3A_246 = arith.addi %scan3A_162, %scan3A_245 : i32
          %mul3A_247 = arith.constant 1 : i32
          %mul3A_248 = arith.muli %scan3A_246, %mul3A_247 : i32
          %add3A_249 = arith.constant 0 : i32
          %add3A_250 = arith.addi %add3A_249, %mul3A_248 : i32
          %add3A_251 = arith.addi %mul3A_120, %add3A_250 : i32
          %get3A_252 = arith.index_cast %add3A_251 : i32 to index
          %get3A_253 = arith.constant 0 : index
          %get3A_254 = tpu.vector_load %arg9[%get3A_252, %get3A_253] {strides = array<i32>} : memref<200x64xf32, #tpu.memory_space<vmem>>, vector<1x16xf32>,
          %get3A_255 = vector.shape_cast %get3A_254 : vector<1x16xf32> to vector<16xf32>
          %add3A_256 = arith.addf %add3A_229, %get3A_255 : vector<16xf32>
          %get3A_257 = arith.index_cast %add3A_251 : i32 to index
          %get3A_258 = arith.constant 16 : index
          %get3A_259 = tpu.vector_load %arg9[%get3A_257, %get3A_258] {strides = array<i32>} : memref<200x64xf32, #tpu.memory_space<vmem>>, vector<1x16xf32>,
          %get3A_260 = vector.shape_cast %get3A_259 : vector<1x16xf32> to vector<16xf32>
          %add3A_261 = arith.addf %add3A_234, %get3A_260 : vector<16xf32>
          %get3A_262 = arith.index_cast %add3A_251 : i32 to index
          %get3A_263 = arith.constant 32 : index
          %get3A_264 = tpu.vector_load %arg9[%get3A_262, %get3A_263] {strides = array<i32>} : memref<200x64xf32, #tpu.memory_space<vmem>>, vector<1x16xf32>,
          %get3A_265 = vector.shape_cast %get3A_264 : vector<1x16xf32> to vector<16xf32>
          %add3A_266 = arith.addf %add3A_239, %get3A_265 : vector<16xf32>
          %get3A_267 = arith.index_cast %add3A_251 : i32 to index
          %get3A_268 = arith.constant 48 : index
          %get3A_269 = tpu.vector_load %arg9[%get3A_267, %get3A_268] {strides = array<i32>} : memref<200x64xf32, #tpu.memory_space<vmem>>, vector<1x16xf32>,
          %get3A_270 = vector.shape_cast %get3A_269 : vector<1x16xf32> to vector<16xf32>
          %add3A_271 = arith.addf %add3A_244, %get3A_270 : vector<16xf32>
          %scan3A_272 = arith.constant 4 : i32
          %scan3A_273 = arith.addi %scan3A_162, %scan3A_272 : i32
          %mul3A_274 = arith.constant 1 : i32
          %mul3A_275 = arith.muli %scan3A_273, %mul3A_274 : i32
          %add3A_276 = arith.constant 0 : i32
          %add3A_277 = arith.addi %add3A_276, %mul3A_275 : i32
          %add3A_278 = arith.addi %mul3A_120, %add3A_277 : i32
          %get3A_279 = arith.index_cast %add3A_278 : i32 to index
          %get3A_280 = arith.constant 0 : index
          %get3A_281 = tpu.vector_load %arg9[%get3A_279, %get3A_280] {strides = array<i32>} : memref<200x64xf32, #tpu.memory_space<vmem>>, vector<1x16xf32>,
          %get3A_282 = vector.shape_cast %get3A_281 : vector<1x16xf32> to vector<16xf32>
          %add3A_283 = arith.addf %add3A_256, %get3A_282 : vector<16xf32>
          %get3A_284 = arith.index_cast %add3A_278 : i32 to index
          %get3A_285 = arith.constant 16 : index
          %get3A_286 = tpu.vector_load %arg9[%get3A_284, %get3A_285] {strides = array<i32>} : memref<200x64xf32, #tpu.memory_space<vmem>>, vector<1x16xf32>,
          %get3A_287 = vector.shape_cast %get3A_286 : vector<1x16xf32> to vector<16xf32>
          %add3A_288 = arith.addf %add3A_261, %get3A_287 : vector<16xf32>
          %get3A_289 = arith.index_cast %add3A_278 : i32 to index
          %get3A_290 = arith.constant 32 : index
          %get3A_291 = tpu.vector_load %arg9[%get3A_289, %get3A_290] {strides = array<i32>} : memref<200x64xf32, #tpu.memory_space<vmem>>, vector<1x16xf32>,
          %get3A_292 = vector.shape_cast %get3A_291 : vector<1x16xf32> to vector<16xf32>
          %add3A_293 = arith.addf %add3A_266, %get3A_292 : vector<16xf32>
          %get3A_294 = arith.index_cast %add3A_278 : i32 to index
          %get3A_295 = arith.constant 48 : index
          %get3A_296 = tpu.vector_load %arg9[%get3A_294, %get3A_295] {strides = array<i32>} : memref<200x64xf32, #tpu.memory_space<vmem>>, vector<1x16xf32>,
          %get3A_297 = vector.shape_cast %get3A_296 : vector<1x16xf32> to vector<16xf32>
          %add3A_298 = arith.addf %add3A_271, %get3A_297 : vector<16xf32>
          scf.yield %add3A_283, %add3A_288, %add3A_293, %add3A_298 : vector<16xf32>, vector<16xf32>, vector<16xf32>, vector<16xf32>
        }
        %scan3A_127 = arith.constant 50 : i32
        %mul3A_128 = arith.constant 4 : i32
        %mul3A_129 = arith.muli %add3A_95, %mul3A_128 : i32
        %add3A_130 = arith.addi %mul3A_129, %add3A_118 : i32
        %mul3A_131 = arith.constant 2.000000e-02 : f32
        %mul3A_132 = vector.broadcast %mul3A_131 : f32 to vector<16xf32>
        %mul3A_133 = arith.mulf %scan3A_126#0, %mul3A_132 : vector<16xf32>
        %swap3A = arith.index_cast %add3A_130 : i32 to index
        %swap3A_134 = arith.constant 0 : index
        %swap3A_135 = tpu.vector_load %arg10[%swap3A, %swap3A_134] {strides = array<i32>} : memref<512x64xf32, #tpu.memory_space<vmem>>, vector<1x16xf32>,
        %swap3A_136 = vector.shape_cast %swap3A_135 : vector<1x16xf32> to vector<16xf32>
        %swap3A_137 = vector.shape_cast %mul3A_133 : vector<16xf32> to vector<1x16xf32>
        tpu.vector_store %arg10[%swap3A, %swap3A_134], %swap3A_137 {strides = array<i32>} : memref<512x64xf32, #tpu.memory_space<vmem>>, vector<1x16xf32>,
        %mul3A_138 = arith.constant 2.000000e-02 : f32
        %mul3A_139 = vector.broadcast %mul3A_138 : f32 to vector<16xf32>
        %mul3A_140 = arith.mulf %scan3A_126#1, %mul3A_139 : vector<16xf32>
        %swap3A_141 = arith.index_cast %add3A_130 : i32 to index
        %swap3A_142 = arith.constant 16 : index
        %swap3A_143 = tpu.vector_load %arg10[%swap3A_141, %swap3A_142] {strides = array<i32>} : memref<512x64xf32, #tpu.memory_space<vmem>>, vector<1x16xf32>,
        %swap3A_144 = vector.shape_cast %swap3A_143 : vector<1x16xf32> to vector<16xf32>
        %swap3A_145 = vector.shape_cast %mul3A_140 : vector<16xf32> to vector<1x16xf32>
        tpu.vector_store %arg10[%swap3A_141, %swap3A_142], %swap3A_145 {strides = array<i32>} : memref<512x64xf32, #tpu.memory_space<vmem>>, vector<1x16xf32>,
        %mul3A_146 = arith.constant 2.000000e-02 : f32
        %mul3A_147 = vector.broadcast %mul3A_146 : f32 to vector<16xf32>
        %mul3A_148 = arith.mulf %scan3A_126#2, %mul3A_147 : vector<16xf32>
        %swap3A_149 = arith.index_cast %add3A_130 : i32 to index
        %swap3A_150 = arith.constant 32 : index
        %swap3A_151 = tpu.vector_load %arg10[%swap3A_149, %swap3A_150] {strides = array<i32>} : memref<512x64xf32, #tpu.memory_space<vmem>>, vector<1x16xf32>,
        %swap3A_152 = vector.shape_cast %swap3A_151 : vector<1x16xf32> to vector<16xf32>
        %swap3A_153 = vector.shape_cast %mul3A_148 : vector<16xf32> to vector<1x16xf32>
        tpu.vector_store %arg10[%swap3A_149, %swap3A_150], %swap3A_153 {strides = array<i32>} : memref<512x64xf32, #tpu.memory_space<vmem>>, vector<1x16xf32>,
        %mul3A_154 = arith.constant 2.000000e-02 : f32
        %mul3A_155 = vector.broadcast %mul3A_154 : f32 to vector<16xf32>
        %mul3A_156 = arith.mulf %scan3A_126#3, %mul3A_155 : vector<16xf32>
        %swap3A_157 = arith.index_cast %add3A_130 : i32 to index
        %swap3A_158 = arith.constant 48 : index
        %swap3A_159 = tpu.vector_load %arg10[%swap3A_157, %swap3A_158] {strides = array<i32>} : memref<512x64xf32, #tpu.memory_space<vmem>>, vector<1x16xf32>,
        %swap3A_160 = vector.shape_cast %swap3A_159 : vector<1x16xf32> to vector<16xf32>
        %swap3A_161 = vector.shape_cast %mul3A_156 : vector<16xf32> to vector<1x16xf32>
        tpu.vector_store %arg10[%swap3A_157, %swap3A_158], %swap3A_161 {strides = array<i32>} : memref<512x64xf32, #tpu.memory_space<vmem>>, vector<1x16xf32>,
      }
      %scan3A_106 = arith.constant 4 : i32
      %add3A_107 = arith.constant 4 : i32
      %add3A_108 = arith.addi %add3A_95, %add3A_107 : i32
      %lt3A_109 = arith.constant 128 : i32
      %lt3A_110 = arith.cmpi slt, %add3A_108, %lt3A_109 : i32
      %convert_element_type3A_111 = arith.extui %lt3A_110 : i1 to i32
      %cond3A_112 = arith.constant 0 : i32
      %cond3A_113 = arith.cmpi ne, %convert_element_type3A_111, %cond3A_112 : i32
      scf.if %cond3A_113 {
        %mul3A_114 = arith.constant 200 : i32
        %mul3A_115 = arith.muli %add3A_108, %mul3A_114 : i32
        %dma_start3A_116 = tpu.memref_slice %arg5[%mul3A_115] : memref<25600xi32, #tpu.memory_space<vmem>> -> memref<200xi32, #tpu.memory_space<vmem>>
        %dma_start3A_117 = arith.constant 0 : i32
        %dma_start3A_118 = arith.constant 0 : i32
        %dma_start3A_119 = tpu.memref_slice %arg3[%dma_start3A_117, %dma_start3A_118] : memref<1015808x64xf32, #tpu.memory_space<hbm>> -> memref<1015808x64xf32, #tpu.memory_space<hbm>>
        tpu.enqueue_indirect_dma source(%dma_start3A_119 : memref<1015808x64xf32, #tpu.memory_space<hbm>>) target(%arg9 : memref<200x64xf32, #tpu.memory_space<vmem>>) offsets(%dma_start3A_116 : memref<200xi32, #tpu.memory_space<vmem>>) semaphore(%arg14 : memref<!tpu.dma_semaphore, #tpu.memory_space<semaphore_mem>>)
      } else {
      }
    }
    %scan3A_32 = arith.constant 32 : i32
    "tpu.region"() ({
      %run_scoped3A = tpu.sem_alloc : memref<!tpu.dma_semaphore, #tpu.memory_space<semaphore_mem>>
      %dma_start3A_33 = arith.constant 0 : i32
      %dma_start3A_34 = tpu.memref_slice %arg4[%mul3A_2, %dma_start3A_33] : memref<16384x64xf32, #tpu.memory_space<hbm>> -> memref<512x64xf32, #tpu.memory_space<hbm>>
      %dma_start3A_35 = arith.constant 0 : i32
      %dma_start3A_36 = tpu.memref_slice %arg4[%mul3A_2, %dma_start3A_35] : memref<16384x64xf32, #tpu.memory_space<hbm>> -> memref<512x64xf32, #tpu.memory_space<hbm>>
      tpu.enqueue_dma source(%arg10 : memref<512x64xf32, #tpu.memory_space<vmem>>) target(%dma_start3A_36 : memref<512x64xf32, #tpu.memory_space<hbm>>) target_semaphore(%run_scoped3A : memref<!tpu.dma_semaphore, #tpu.memory_space<semaphore_mem>>)
      %dma_wait3A = arith.constant 0 : i32
      %dma_wait3A_37 = tpu.memref_slice %arg4[%mul3A_2, %dma_wait3A] : memref<16384x64xf32, #tpu.memory_space<hbm>> -> memref<512x64xf32, #tpu.memory_space<hbm>>
      %dma_wait3A_38 = arith.constant 0 : i32
      %dma_wait3A_39 = tpu.memref_slice %arg4[%mul3A_2, %dma_wait3A_38] : memref<16384x64xf32, #tpu.memory_space<hbm>> -> memref<512x64xf32, #tpu.memory_space<hbm>>
      tpu.wait_dma2 semaphore(%run_scoped3A : memref<!tpu.dma_semaphore, #tpu.memory_space<semaphore_mem>>) src(%arg10 : memref<512x64xf32, #tpu.memory_space<vmem>>) dst(%dma_wait3A_39 : memref<512x64xf32, #tpu.memory_space<hbm>>)
      tpu.yield
    }) : () -> ()
    return
  }
}

module attributes {stable_mosaic.version = 14 : i64} {
  func.func @_pack_body(%arg0: i32, %arg1: memref<64x16384xf32, #tpu.memory_space<vmem>>, %arg2: memref<64x16384xf32, #tpu.memory_space<vmem>>, %arg3: memref<16384x128xf32, #tpu.memory_space<vmem>>) attributes {dimension_semantics = [#tpu.dimension_semantics<arbitrary>], iteration_bounds = array<i64: 31>, scalar_prefetch = 0 : i64, scratch_operands = 0 : i64, tpu.core_type = #tpu.core_type<tc>, window_params = [{transform_indices = @transform_0, window_bounds = array<i64: 64, 16384>}, {transform_indices = @transform_1, window_bounds = array<i64: 64, 16384>}, {transform_indices = @transform_2, window_bounds = array<i64: 16384, 128>}]} {
    %get3A = arith.constant 0 : index
    %get3A_0 = arith.constant 0 : index
    %get3A_1 = vector.load %arg1[%get3A, %get3A_0] : memref<64x16384xf32, #tpu.memory_space<vmem>>, vector<64x16384xf32>
    %get3A_2 = arith.constant 0 : index
    %get3A_3 = arith.constant 0 : index
    %get3A_4 = vector.load %arg2[%get3A_2, %get3A_3] : memref<64x16384xf32, #tpu.memory_space<vmem>>, vector<64x16384xf32>
    %concatenate3A = tpu.concatenate %get3A_1, %get3A_4 in 0 : vector<64x16384xf32>, vector<64x16384xf32> -> vector<128x16384xf32>
    %transpose3A = tpu.transpose %concatenate3A, [1, 0] : vector<128x16384xf32> -> vector<16384x128xf32>
    %swap3A = arith.constant 0 : index
    %swap3A_5 = arith.constant 0 : index
    %swap3A_6 = vector.load %arg3[%swap3A, %swap3A_5] : memref<16384x128xf32, #tpu.memory_space<vmem>>, vector<16384x128xf32>
    tpu.vector_store %arg3[%swap3A, %swap3A_5], %transpose3A {strides = array<i32>} : memref<16384x128xf32, #tpu.memory_space<vmem>>, vector<16384x128xf32>,
    return
  }
  func.func @transform_0(%arg0: i32) -> (i32, i32) {
    %c0_i32 = arith.constant 0 : i32
    %c0_i32_0 = arith.constant 0 : i32
    return %c0_i32, %arg0 : i32, i32
  }
  func.func @transform_1(%arg0: i32) -> (i32, i32) {
    %add3A = arith.constant 31 : i32
    %add3A_0 = arith.addi %arg0, %add3A : i32
    %min3A = arith.constant 61 : i32
    %min3A_1 = arith.minsi %add3A_0, %min3A : i32
    %c0_i32 = arith.constant 0 : i32
    %c0_i32_2 = arith.constant 0 : i32
    return %c0_i32, %min3A_1 : i32, i32
  }
  func.func @transform_2(%arg0: i32) -> (i32, i32) {
    %c0_i32 = arith.constant 0 : i32
    %c0_i32_0 = arith.constant 0 : i32
    return %arg0, %c0_i32 : i32, i32
  }
}

</mosaic_0001>

<sc_bundles>
// kernel: kernel.4.cloned.1.call-start
scs
__scs_entry_jumppad:
0x0: {  	(pc) =	sbr.rel $0x88, $3  }
0x1: {  	(tag) =	ssettag $0x0;
	lr =	simm.s32 $0x1  }
0x2: {  	[smem:$0x3F9F] =	sst lr;
	_ =	strace $0xD0000000  }
0x3: {  	_ = 	snop  }
0x4: {  	_ = 	snop  }
0x5: {  	_ = 	snop  }
0x6: {  	_ = 	snop  }
0x7: {  	_ = 	snop  }
__scs_overlays_trampoline_lowered:
0x8: {  	[smem:$0x3FAE] =	sst s0  }
0x9: {  	[smem:$0x3FAF] =	sst s1  }
0xa: {  	[smem:$0x3FB0] =	sst s2  }
0xb: {  	[smem:$0x3FB1] =	sst s3  }
0xc: {  	[smem:$0x3FB2] =	sst s4  }
0xd: {  	[smem:$0x3FB3] =	sst s5  }
0xe: {  	[smem:$0x3FB4] =	sst s6  }
0xf: {  	[smem:$0x3FB5] =	sst s7  }
0x10: {  	[smem:$0x3FB6] =	sst s8  }
0x11: {  	[smem:$0x3FB7] =	sst s9;
	s0 =	simm.s32 @!p0 $0x0  }
0x12: {  	s1 =	sld [smem:$0x3F9D];
	s0 =	simm.s32 @p0 $0x1  }
0x13: {  	[smem:$0x3FB8] =	sst s0;
	s0 =	simm.s32 @!p1 $0x0  }
0x14: {  	s2 =	sld [smem:$0x3F9C];
	s0 =	simm.s32 @p1 $0x1  }
0x15: {  	[smem:$0x3FB9] =	sst s0;
	s0 =	simm.s32 @!p2 $0x0  }
0x16: {  	s3 =	sld [smem:$0x3FDB];
	s0 =	simm.s32 @p2 $0x1  }
0x17: {  	s4 =	simm.s32 $0x1BF5;
	[smem:$0x3FBB] =	sst s0  }
0x18: {  	s0 =	sld [smem:$0x3F9E];
	_ =	swait.ge [sflag:s4], $0x0  }
0x19: {  	s7 =	sld [smem:$0x3F9F]  }
0x1a: {  	s8 =	sadd.s32 $0xFFFFE003, lr  }
0x1b: {  	s9 =	sadd.s32 $0xFFFFFEF7, lr;
	s5 =	simm.s32 $0xFFFFFFFF;
	p2 =	slt.u32 s8, $0xFFFFF086  }
0x1c: {  	p1 =	slt.u32 s9, $0xF7A;
	s5 =	simm.s32 @!p2 $0x0  }
0x1d: {  	s5 =	simm.s32 @p1 $0x1;
	p0 =	seq.s32 s7, s2  }
0x1e: {  	s7 =	smul.u32 @!p0 $0xF7A, s2;
	p2 =	seq.s32 @!p0 s5, $0x0  }
0x1f: {  	s9 =	smul.u32 $0xF7A, s1;
	s8 =	simm.s32 @!p0 $0x1BF5;
	p2 =	por !p2, p0  }
0x20: {  	[sflag:s8] =	ssyncset.s32 @!p0 $0xFFFFF086;
	s6 =	sadd.s32 @!p0 s3, s7;
	s7 =	simm.s32 @!p0 $0x108  }
0x21: {  	s3 =	sadd.s32 s3, s9;
	s6 =	sadd.s32 @!p0 $0x88, s6;
	s7 =	simm.s32 @p2 $0x1082  }
0x22: {  	[simem:s7], [sflag:s8] =	dma.local @!p0 [hbm:s6], $0xF7A  }
0x23: {  	s9 =	sor.u32 $0xD0000000, s2;
	s6 =	simm.s32 $0x108;
	_ =	swait.ge @!p0 [sflag:s8], $0x0  }
0x24: {  	s3 =	sadd.s32 $0x88, s3;
	s6 =	simm.s32 @!p1 $0x1082;
	[sflag:s4] =	ssyncset.s32 $0xFFFFF086  }
0x25: {  	[simem:s6], [sflag:s4] =	dma.local [hbm:s3], $0xF7A  }
0x26: {  	[smem:$0x3F9F] =	sst s1;
	(tag) =	ssettag s2;
	_ =	strace s9  }
0x27: {  	s1 =	sld [smem:$0x3FAF]  }
0x28: {  	s2 =	sld [smem:$0x3FB0]  }
0x29: {  	s4 =	sld [smem:$0x3FB2]  }
0x2a: {  	p0 =	seq.s32 s5, $0x0;
	s5 =	sld [smem:$0x3FB3]  }
0x2b: {  	s6 =	sld [smem:$0x3FB4]  }
0x2c: {  	s7 =	sld [smem:$0x3FB5]  }
0x2d: {  	s3 =	simm.s32 $0x108;
	s8 =	sld [smem:$0x3FB6]  }
0x2e: {  	s3 =	simm.s32 @!p0 $0x1082;
	s9 =	sld [smem:$0x3FB7]  }
0x2f: {  	lr =	sadd.s32 s0, s3;
	s0 =	sld [smem:$0x3FAE]  }
0x30: {  	s3 =	sld [smem:$0x3FB1]  }
0x31: {  	[smem:$0x3FBA] =	sst s10  }
0x32: {  	s10 =	sld [smem:$0x3FB8];
	_ =	sdelay $0x3  }
0x33: {  	p0 =	seq.s32 s10, $0x1;
	s10 =	sld [smem:$0x3FBA];
	_ =	sdelay $0x3  }
0x34: {  	[smem:$0x3FBA] =	sst s10  }
0x35: {  	s10 =	sld [smem:$0x3FB9];
	_ =	sdelay $0x3  }
0x36: {  	p1 =	seq.s32 s10, $0x1;
	s10 =	sld [smem:$0x3FBA];
	_ =	sdelay $0x3  }
0x37: {  	[smem:$0x3FBA] =	sst s10  }
0x38: {  	s10 =	sld [smem:$0x3FBB]  }
0x39: {  	_ = 	snop;
	(pc) =	sbr.ind lr, $3  }
0x3a: {  	_ = 	snop  }
0x3b: {  	_ = 	snop  }
0x3c: {  	p2 =	seq.s32 s10, $0x1;
	s10 =	sld [smem:$0x3FBA]  }
0x3d: {  	_ =	shalt  }
0x3e: {  	_ =	shalt  }
0x3f: {  	_ =	shalt  }
0x40: {  	_ =	shalt  }
0x41: {  	_ =	shalt  }
0x42: {  	_ =	shalt  }
0x43: {  	_ =	shalt  }
0x44: {  	_ =	shalt  }
0x45: {  	_ =	shalt  }
0x46: {  	_ =	shalt  }
0x47: {  	_ =	shalt  }
0x48: {  	_ =	shalt  }
0x49: {  	_ =	shalt  }
0x4a: {  	_ =	shalt  }
0x4b: {  	_ =	shalt  }
0x4c: {  	_ =	shalt  }
0x4d: {  	_ =	shalt  }
0x4e: {  	_ =	shalt  }
0x4f: {  	_ =	shalt  }
0x50: {  	_ =	shalt  }
0x51: {  	_ =	shalt  }
0x52: {  	_ =	shalt  }
0x53: {  	_ =	shalt  }
0x54: {  	_ =	shalt  }
0x55: {  	_ =	shalt  }
0x56: {  	_ =	shalt  }
0x57: {  	_ =	shalt  }
0x58: {  	_ =	shalt  }
0x59: {  	_ =	shalt  }
0x5a: {  	_ =	shalt  }
0x5b: {  	_ =	shalt  }
0x5c: {  	_ =	shalt  }
0x5d: {  	_ =	shalt  }
0x5e: {  	_ =	shalt  }
0x5f: {  	_ =	shalt  }
0x60: {  	_ =	shalt  }
0x61: {  	_ =	shalt  }
0x62: {  	_ =	shalt  }
0x63: {  	_ =	shalt  }
0x64: {  	_ =	shalt  }
0x65: {  	_ =	shalt  }
0x66: {  	_ =	shalt  }
0x67: {  	_ =	shalt  }
0x68: {  	_ =	shalt  }
0x69: {  	_ =	shalt  }
0x6a: {  	_ =	shalt  }
0x6b: {  	_ =	shalt  }
0x6c: {  	_ =	shalt  }
0x6d: {  	_ =	shalt  }
0x6e: {  	_ =	shalt  }
0x6f: {  	_ =	shalt  }
0x70: {  	_ =	shalt  }
0x71: {  	_ =	shalt  }
0x72: {  	_ =	shalt  }
0x73: {  	_ =	shalt  }
0x74: {  	_ =	shalt  }
0x75: {  	_ =	shalt  }
0x76: {  	_ =	shalt  }
0x77: {  	_ =	shalt  }
0x78: {  	_ =	shalt  }
0x79: {  	_ =	shalt  }
0x7a: {  	_ =	shalt  }
0x7b: {  	_ =	shalt  }
0x7c: {  	_ =	shalt  }
0x7d: {  	_ =	shalt  }
0x7e: {  	_ =	shalt  }
0x7f: {  	_ =	shalt  }
0x80: {  	_ =	shalt  }
0x81: {  	_ =	shalt  }
0x82: {  	_ =	shalt  }
0x83: {  	_ =	shalt  }
0x84: {  	_ =	shalt  }
0x85: {  	_ =	shalt  }
0x86: {  	_ =	shalt  }
0x87: {  	_ =	shalt  }
.Lfunc_end0:
.L_simem_size_0:
called_computation_lowered:
.L_overlay_start_0:
0x88: {  	s2 =	sld [smem:$0x3FD9]  }
0x89: {  	s3 =	sld [smem:$0x3FFE];
	_ =	sdelay $0x1  }
0x8a: {  	s1 =	srdreg.scid  }
0x8b: {  	s0 =	sand.u32 $0x1, s1  }
0x8c: {  	s17 =	sshll.u32 s0, $0xA;
	s2 =	sadd.s32 s3, s2  }
0x8d: {  	s2 =	sadd.s32 s2, s17  }
0x8e: {  	[smem:$0x3FC6] =	sst s2  }
0x8f: {  	_ = 	snop  }
0x90: {  	s2 =	sld [smem:$0x3FD0];
	(tm) =	ssettm $0x1  }
0x91: {  	s18 =	sld [smem:$0x3FFB];
	_ =	sdelay $0x3  }
0x92: {  	_ =	strace s18  }
0x93: {  	s3 =	sld [smem:$0x3FFC];
	_ =	sdelay $0x3  }
0x94: {  	_ =	strace s3  }
0x95: {  	s3 =	sld [smem:$0x3FFD];
	_ =	sdelay $0x3  }
0x96: {  	_ =	strace s3  }
0x97: {  	_ =	strace $0x8FFFFFFF  }
0x98: {  	s19 =	sld [smem:$0x3FDB];
	_ =	sdelay $0x1  }
0x99: {  	s4 =	simm.s32 $_scs_section_size  }
0x9a: {  	s5 =	simm.s32 $_size__tile_overlayer_lowered;
	s6 =	simm.s32 $_tile_overlayer_lowered  }
0x9b: {  	s22 =	simm.s32 $0x1BFF;
	s21 =	sshll.u32 s6, $0x1;
	s3 =	sadd.s32 s4, s19  }
0x9c: {  	s7 =	simm.s32 $0x0;
	s20 =	sshll.u32 s5, $0x1;
	s5 =	sadd.s32 s21, s3  }
0x9d: {  	[timem:s7], [sflag:s22] =	dma.local [hbm:s5], s20  }
0x9e: {  	_ =	swait.ge [sflag:s22], s20  }
0x9f: {  	s4 =	ssub.s32 $0x0, s20;
	[sflag:s22] =	ssyncset.done $0x0  }
0xa0: {  	[sflag:s22] =	ssyncadd.s32 s4;
	_ =	sdelay $0x1  }
0xa1: {  	s23 =	simm.s32 $0x1B8B  }
0xa2: {  	_ =	swait.ge [sflag:s23], $0x1  }
0xa3: {  	[sflag:s23] =	ssyncset.done $0x0  }
0xa4: {  	s25 =	simm.s32 $0x1B8E;
	s24 =	sld [smem:$0x3FFE];
	[sflag:s23] =	ssyncadd.s32 $0xFFFFFFFF  }
0xa5: {  	s26 =	simm.s32 $execute0_lowered;
	[smem:$0x3FD2] =	sst s25  }
0xa6: {  	s5 =	sshll.u32 s26, $0x1;
	_ =	strace $0x80000046;
	[dreg:$0x1] =	wrdreg $0xFFFFFFFF  }
0xa7: {  	s28 =	simm.s32 $_size_execute0_lowered;
	s3 =	sadd.s32 s3, s5;
	[dreg:$0x0] =	wrdreg $0x0  }
0xa8: {  	s5 =	sshll.u32 s28, $0x1;
	[dreg:$0x2] =	wrdreg s3  }
0xa9: {  	[dreg:$0x3] =	wrdreg s5  }
0xaa: {  	[dreg:$0x4] =	wrdreg $0xC0  }
0xab: {  	_ =	task [dreg:s7], $0x5FFFF  }
0xac: {  	[dreg:$0x1] =	wrdreg $0xFFFFFFFF  }
0xad: {  	[dreg:$0x0] =	wrdreg $0x60  }
0xae: {  	[dreg:$0x2] =	wrdreg s24  }
0xaf: {  	[dreg:$0x3] =	wrdreg s2  }
0xb0: {  	[dreg:$0x4] =	wrdreg $0x9  }
0xb1: {  	_ =	task.clear_ibuf [dreg:s7], $0x5FFFF;
	_ =	strace $0x90000046  }
0xb2: {  	s29 =	simm.s32 $0x9;
	_ =	strace $0x80000048  }
0xb3: {  	_ =	swait.ge [sflag:s29], $0x1  }
0xb4: {  	[sflag:s29] =	ssyncadd.s32 $0xFFFFFFFF  }
0xb5: {  	_ =	strace $0x90000048  }
0xb6: {  	_ =	sfence  }
0xb7: {  	s30 =	sld [smem:$0x0];
	_ =	sdelay $0x2  }
0xb8: {  	s31 =	sshll.u32 s1, $0xD;
	s1 =	sshrl.u32 s1, $0x2  }
0xb9: {  	s3 =	sand.u32 $0x4000, s31;
	s1 =	sadd.s32 s1, s30  }
0xba: {  	s0 =	sor.u32 s3, s0;
	s1 =	sshll.u32 s1, $0x11  }
0xbb: {  	s0 =	sor.u32 s1, s0  }
0xbc: {  	s0 =	sadd.s32 $0x8F2B, s0  }
0xbd: {  	[sflag:s0] =	ssyncadd.remote.s32 $0x1  }
0xbe: {  	_ =	sfence.sel $0xFFFF  }
0xbf: {  	[dreg:$0x0] =	wrdreg $0xFFFFFFFF;
	(pc) =	sbr.abs _section_cstart, $3  }
0xc0: {  	[dreg:$0x1] =	wrdreg $0xFFFFFFFF  }
0xc1: {  	_ =	task.clear_ibuf [dreg:s7], $0x2FFFF;
	_ =	strace $0x9FFFFFFF  }
0xc2: {  	(tm) =	ssettm $0x7FFFFFFF  }
0xc3: {  	_ =	shalt  }
tec
execute0_lowered:
.L_overlay_start_1:
0x0: {  	(tag) =	ssettag $0x1  }
0x1: {  	s1 =	srdreg.scid  }
0x2: {  	s0 =	stileid.u32;
	s3 =	rddreg [dreg:$0x0]  }
0x3: {  	s5 =	rddreg [dreg:$0x1];
	s2 =	simm.s32 $0x0;
	s9 =	simm.s32 $0x6400  }
0x4: {  	s10 =	simm.s32 $0x9600;
	s11 =	simm.s32 $0x190;
	s12 =	simm.s32 $0xC800  }
0x5: {  	s13 =	simm.s32 $0x258;
	s14 =	simm.s32 $0xFA00;
	s15 =	simm.s32 $0x1  }
0x6: {  	s16 =	simm.s32 $0x2;
	s17 =	simm.s32 $0x3;
	s18 =	simm.s32 $0x4  }
0x7: {  	s19 =	simm.s32 $0x12C00;
	s4 =	sand.u32 $0x1, s1;
	s1 =	rddreg [dreg:$0x2]  }
0x8: {  	s20 =	simm.s32 $0x0;
	s31 =	sshll.u32 s0, $0x1;
	[smem:$0x7FF] =	sst s2  }
.Ltmp0:
0x9: {  	s6 =	sor.u32 s4, s31;
	s4 =	ssub.s32 $0x2, s4;
	(pc) =	sbr.rel .LBB2_1-.Ltmp0, $4  }
0xa: {  	s7 =	smul.u32 $0xC80, s6;
	s8 =	sshrl.u32 s4, $0x1;
	s6 =	sshll.u32 s6, $0xC  }
0xb: {  	_ =	strace $0x80000047;
	s8 =	ssub.s32 s4, s8;
	s5 =	sadd.s32 s5, s6  }
0xc: {  	s7 =	sadd.s32 s7, s3;
	s3 =	sadd.s32 $0x19400, s3;
	s6 =	smax.u32 s8, $0x1  }
0xd: {  	v0 =	vimm.s32 $0x0;
	s8 =	simm.s32 $0xC8;
	s4 =	sadd.s32 $0x400, s7;
	s7 =	simm.s32 $0x5  }
.LBB2_22:
0xe: {  	s20 =	sadd.s32 $0x1, s20  }
0xf: {  	p0 =	sne.s32 s20, s6  }
.Ltmp1:
0x10: {  	_ = 	snop;
	(pc) =	sbr.rel @!p0 .LBB2_23-.Ltmp1, $4  }
0x11: {  	[hbm4b:s5+s2] =	stream.linear.scatter [tilespmem:s19], [sflag:$0x5], $0x8000, $0x38;
	[tilespmem:$0x1AC00] =	vst v63  }
0x12: {  	_ =	swait.ge [sflag:s7], $0x8000  }
0x13: {  	[sflag:s7] =	ssyncset.done $0x0  }
0x14: {  	[sflag:s7] =	ssyncadd.s32 $0xFFFF8000  }
.LBB2_1:
0x15: {  	[tilespmem:s2], [sflag:$0x5] =	stream.linear.gather [hbm4b:s4+s2], $0x6400, $0x38;
	[tilespmem:$0x1AC00] =	vst v63  }
0x16: {  	_ =	swait.ge [sflag:s7], $0x6400  }
0x17: {  	[sflag:s7] =	ssyncset.done $0x0  }
0x18: {  	s21 =	simm.s32 $0x0;
	s22 =	simm.s32 $0x40;
	[sflag:s7] =	ssyncadd.s32 $0xFFFF9C00  }
.LBB2_2:
0x19: {  	p0 =	sne.s32 s22, $0x18FC0;
	v1 =	vld [tilespmem:s21+$0x0];
	_ =	sdelay $0x3  }
.Ltmp2:
0x1a: {  	(pc) =	sbr.rel @p0 .LBB2_2-.Ltmp2, $4  }
0x1b: {  	vm0 =	vgt.s32 v1, $0x7BFFF  }
0x1c: {  	v1 =	vshll.u32 v1, $0x1;
	v2 =	vsel vm0, $0xFFF08001, v0  }
0x1d: {  	v1 =	vadd.s32 v1, v2  }
0x1e: {  	[tilespmem:s21+$0x0] =	vst v1;
	s21 =	sshra.s32 s22, $0x2;
	s22 =	sadd.s32 $0x40, s22  }
0x1f: {  	v1 =	vld [tilespmem:s21+$0x0];
	_ =	sdelay $0x4  }
0x20: {  	vm0 =	vgt.s32 v1, $0x7BFFF  }
0x21: {  	v1 =	vshll.u32 v1, $0x1;
	v2 =	vsel vm0, $0xFFF08001, v0  }
0x22: {  	v1 =	vadd.s32 v1, v2  }
0x23: {  	[tilespmem:s21+$0x0] =	vst v1;
	s21 =	simm.s32 $0x0  }
0x24: {  	[tilespmem:s9], [sflag:$0x1] =	stream.indirect.gather [hbm4b:s3+s8], $0x40, s21, s8, $0xb8;
	[tilespmem:$0x1AC00] =	vst v63  }
0x25: {  	_ = 	snop  }
0x26: {  	[tilespmem:s10], [sflag:$0x2] =	stream.indirect.gather [hbm4b:s3+s8], $0x40, s8, s8, $0xb8;
	[tilespmem:$0x1AC00] =	vst v63  }
0x27: {  	_ = 	snop  }
0x28: {  	[tilespmem:s12], [sflag:$0x3] =	stream.indirect.gather [hbm4b:s3+s8], $0x40, s11, s8, $0xb8;
	[tilespmem:$0x1AC00] =	vst v63  }
0x29: {  	_ = 	snop  }
0x2a: {  	[tilespmem:s14], [sflag:$0x4] =	stream.indirect.gather [hbm4b:s3+s8], $0x40, s13, s8, $0xb8;
	[tilespmem:$0x1AC00] =	vst v63  }
.LBB2_4:
0x2b: {  	s22 =	sshll.u32 s21, $0xA  }
0x2c: {  	_ =	swait.ge [sflag:s15], $0x3200;
	s22 =	sand.u32 $0x3FFFFC00, s22  }
0x2d: {  	[sflag:s15] =	ssyncset.done $0x0;
	s23 =	sadd.s32 $0x12C00, s22  }
0x2e: {  	[sflag:s15] =	ssyncadd.s32 $0xFFFFCE00;
	s22 =	simm.s32 $0x64A0;
	v1 =	vmov s23;
	s23 =	simm.s32 $0x0  }
.LBB2_5:
0x2f: {  	v2 =	vld [tilespmem:s22+$0x60]  }
0x30: {  	v3 =	vld [tilespmem:s22+$0x70]  }
0x31: {  	v4 =	vld [tilespmem:s22+$0x20]  }
0x32: {  	v5 =	vld [tilespmem:s22+$0x30]  }
0x33: {  	v11 =	vld [tilespmem:s22+$0xFFFFFFE0]  }
0x34: {  	v14 =	vld [tilespmem:s22+$0xFFFFFFF0]  }
0x35: {  	v9 =	vld [tilespmem:s22+$0xFFFFFFA0]  }
0x36: {  	v10 =	vld [tilespmem:s22+$0xFFFFFFB0]  }
0x37: {  	v7 =	vld [tilespmem:s22+$0xFFFFFF60]  }
0x38: {  	v8 =	vld [tilespmem:s22+$0xFFFFFF70]  }
0x39: {  	v12 =	vld [tilespmem:s22+$0xFFFFFF80]  }
0x3a: {  	v13 =	vld [tilespmem:s22+$0xFFFFFF90]  }
0x3b: {  	v15 =	vld [tilespmem:s22+$0xFFFFFFC0]  }
0x3c: {  	v16 =	vld [tilespmem:s22+$0xFFFFFFD0]  }
0x3d: {  	v17 =	vimm.f32 $0.0e+00;
	v6 =	vld [tilespmem:s22+$0x0]  }
0x3e: {  	v18 =	vadd.f32 v7, v17;
	v19 =	vadd.f32 v8, v17;
	v8 =	vld [tilespmem:s22+$0x10]  }
0x3f: {  	v12 =	vadd.f32 v12, v17;
	v17 =	vadd.f32 v13, v17;
	v7 =	vld [tilespmem:s22+$0x40]  }
0x40: {  	v18 =	vadd.f32 v9, v18;
	v19 =	vadd.f32 v10, v19;
	v10 =	vld [tilespmem:s22+$0x50]  }
0x41: {  	v13 =	vadd.f32 v15, v12;
	v12 =	vadd.f32 v16, v17;
	v9 =	vld [tilespmem:s22+$0x80]  }
0x42: {  	s24 =	simm.s32 $0x0;
	s25 =	sadd.s32 $0x140, s22;
	v15 =	vadd.f32 v11, v18;
	v14 =	vadd.f32 v14, v19;
	v11 =	vld [tilespmem:s22+$0x90]  }
.LBB2_6:
0x43: {  	v16 =	vld [tilespmem:s25+$0x60];
	v6 =	vadd.f32 v6, v13;
	v8 =	vadd.f32 v8, v12  }
0x44: {  	v12 =	vld [tilespmem:s25+$0x70];
	v13 =	vadd.f32 v4, v15;
	v14 =	vadd.f32 v5, v14  }
0x45: {  	v4 =	vld [tilespmem:s25+$0x20];
	v6 =	vadd.f32 v7, v6;
	v7 =	vadd.f32 v10, v8  }
0x46: {  	v5 =	vld [tilespmem:s25+$0x30];
	v8 =	vadd.f32 v2, v13;
	v10 =	vadd.f32 v3, v14  }
0x47: {  	v14 =	vld [tilespmem:s25+$0xFFFFFFE0];
	v9 =	vadd.f32 v9, v6;
	v7 =	vadd.f32 v11, v7  }
0x48: {  	v11 =	vld [tilespmem:s25+$0xFFFFFFF0];
	v2 =	vmov v16  }
0x49: {  	v13 =	vld [tilespmem:s25+$0xFFFFFFA0];
	v3 =	vmov v12  }
0x4a: {  	v12 =	vld [tilespmem:s25+$0xFFFFFFB0]  }
0x4b: {  	v15 =	vld [tilespmem:s25+$0xFFFFFF60]  }
0x4c: {  	v16 =	vld [tilespmem:s25+$0xFFFFFF70]  }
0x4d: {  	v17 =	vld [tilespmem:s25+$0xFFFFFF80]  }
0x4e: {  	s24 =	sadd.s32 $0x5, s24;
	v18 =	vld [tilespmem:s25+$0xFFFFFF90]  }
0x4f: {  	p0 =	slt.u32 s24, $0x2D;
	v19 =	vld [tilespmem:s25+$0xFFFFFFC0]  }
0x50: {  	v20 =	vld [tilespmem:s25+$0xFFFFFFD0]  }
0x51: {  	v6 =	vld [tilespmem:s25+$0x0]  }
.Ltmp3:
0x52: {  	v15 =	vadd.f32 v15, v8;
	v10 =	vadd.f32 v16, v10;
	v8 =	vld [tilespmem:s25+$0x10];
	(pc) =	sbr.rel @p0 .LBB2_6-.Ltmp3, $4  }
0x53: {  	v9 =	vadd.f32 v17, v9;
	v16 =	vadd.f32 v18, v7;
	v7 =	vld [tilespmem:s25+$0x40]  }
0x54: {  	v15 =	vadd.f32 v13, v15;
	v17 =	vadd.f32 v12, v10;
	v10 =	vld [tilespmem:s25+$0x50]  }
0x55: {  	v13 =	vadd.f32 v19, v9;
	v12 =	vadd.f32 v20, v16;
	v9 =	vld [tilespmem:s25+$0x80]  }
0x56: {  	v15 =	vadd.f32 v14, v15;
	v14 =	vadd.f32 v11, v17;
	v11 =	vld [tilespmem:s25+$0x90];
	s25 =	sadd.s32 $0x140, s25  }
0x57: {  	_ = 	snop  }
0x58: {  	v6 =	vadd.f32 v6, v13;
	v4 =	vadd.f32 v4, v15  }
0x59: {  	v8 =	vadd.f32 v8, v12;
	v5 =	vadd.f32 v5, v14  }
0x5a: {  	v6 =	vadd.f32 v7, v6;
	v2 =	vadd.f32 v2, v4  }
0x5b: {  	s24 =	sshll.u32 s23, $0x6;
	s23 =	sadd.s32 $0x1, s23;
	v62 =	vadd.f32 v10, v8;
	v3 =	vadd.f32 v3, v5  }
0x5c: {  	p0 =	sne.s32 s23, $0x4;
	v63 =	vadd.f32 v9, v6;
	v2 =	vmul.f32 $1.999999960e-02, v2  }
.Ltmp4:
0x5d: {  	s24 =	sand.u32 $0x3FFFFFC0, s24;
	v4 =	vadd.f32 v11, v62;
	v3 =	vmul.f32 $1.999999960e-02, v3;
	(pc) =	sbr.rel @p0 .LBB2_5-.Ltmp4, $4  }
0x5e: {  	[tilespmem:v1+s24+$0x0 ss:$0x1] =	vst.idx.msk $0xffff, v2;
	v2 =	vmul.f32 $1.999999960e-02, v63  }
0x5f: {  	[tilespmem:v1+s24+$0x10 ss:$0x1] =	vst.idx.msk $0xffff, v3;
	v3 =	vmul.f32 $1.999999960e-02, v4  }
0x60: {  	[tilespmem:v1+s24+$0x20 ss:$0x1] =	vst.idx.msk $0xffff, v2  }
0x61: {  	s22 =	sadd.s32 $0xC80, s22;
	[tilespmem:v1+s24+$0x30 ss:$0x1] =	vst.idx.msk $0xffff, v3  }
0x62: {  	p0 =	seq.s32 s21, $0x1F  }
0x63: {  	s22 =	smul.u32 @!p0 $0xC80, s21;
	_ =	sdelay $0x1  }
0x64: {  	s22 =	sshra.s32 @!p0 s22, $0x2  }
0x65: {  	s24 =	simm.s32 @!p0 $0xC8;
	s25 =	simm.s32 @!p0 $0x6400;
	s23 =	sadd.s32 @!p0 $0x320, s22  }
0x66: {  	[tilespmem:s25], [sflag:$0x1] =	stream.indirect.gather @!p0 [hbm4b:s3+s24], $0x40, s23, s24, $0xb8;
	[tilespmem:$0x1AC00] =	vst v63  }
0x67: {  	_ =	swait.ge [sflag:s16], $0x3200  }
0x68: {  	[sflag:s16] =	ssyncset.done $0x0  }
0x69: {  	s23 =	simm.s32 $0x0;
	s24 =	simm.s32 $0x96A0;
	[sflag:s16] =	ssyncadd.s32 $0xFFFFCE00  }
.LBB2_9:
0x6a: {  	v2 =	vld [tilespmem:s24+$0x60]  }
0x6b: {  	v3 =	vld [tilespmem:s24+$0x70]  }
0x6c: {  	v4 =	vld [tilespmem:s24+$0x20]  }
0x6d: {  	v5 =	vld [tilespmem:s24+$0x30]  }
0x6e: {  	v11 =	vld [tilespmem:s24+$0xFFFFFFE0]  }
0x6f: {  	v14 =	vld [tilespmem:s24+$0xFFFFFFF0]  }
0x70: {  	v9 =	vld [tilespmem:s24+$0xFFFFFFA0]  }
0x71: {  	v10 =	vld [tilespmem:s24+$0xFFFFFFB0]  }
0x72: {  	v7 =	vld [tilespmem:s24+$0xFFFFFF60]  }
0x73: {  	v8 =	vld [tilespmem:s24+$0xFFFFFF70]  }
0x74: {  	v12 =	vld [tilespmem:s24+$0xFFFFFF80]  }
0x75: {  	v13 =	vld [tilespmem:s24+$0xFFFFFF90]  }
0x76: {  	v15 =	vld [tilespmem:s24+$0xFFFFFFC0]  }
0x77: {  	v16 =	vld [tilespmem:s24+$0xFFFFFFD0]  }
0x78: {  	v17 =	vimm.f32 $0.0e+00;
	v6 =	vld [tilespmem:s24+$0x0]  }
0x79: {  	v18 =	vadd.f32 v7, v17;
	v19 =	vadd.f32 v8, v17;
	v8 =	vld [tilespmem:s24+$0x10]  }
0x7a: {  	v12 =	vadd.f32 v12, v17;
	v17 =	vadd.f32 v13, v17;
	v7 =	vld [tilespmem:s24+$0x40]  }
0x7b: {  	v18 =	vadd.f32 v9, v18;
	v19 =	vadd.f32 v10, v19;
	v10 =	vld [tilespmem:s24+$0x50]  }
0x7c: {  	v13 =	vadd.f32 v15, v12;
	v12 =	vadd.f32 v16, v17;
	v9 =	vld [tilespmem:s24+$0x80]  }
0x7d: {  	s25 =	simm.s32 $0x0;
	s26 =	sadd.s32 $0x140, s24;
	v15 =	vadd.f32 v11, v18;
	v14 =	vadd.f32 v14, v19;
	v11 =	vld [tilespmem:s24+$0x90]  }
.LBB2_10:
0x7e: {  	v16 =	vld [tilespmem:s26+$0x60];
	v6 =	vadd.f32 v6, v13;
	v8 =	vadd.f32 v8, v12  }
0x7f: {  	v12 =	vld [tilespmem:s26+$0x70];
	v13 =	vadd.f32 v4, v15;
	v14 =	vadd.f32 v5, v14  }
0x80: {  	v4 =	vld [tilespmem:s26+$0x20];
	v6 =	vadd.f32 v7, v6;
	v7 =	vadd.f32 v10, v8  }
0x81: {  	v5 =	vld [tilespmem:s26+$0x30];
	v8 =	vadd.f32 v2, v13;
	v10 =	vadd.f32 v3, v14  }
0x82: {  	v14 =	vld [tilespmem:s26+$0xFFFFFFE0];
	v9 =	vadd.f32 v9, v6;
	v7 =	vadd.f32 v11, v7  }
0x83: {  	v11 =	vld [tilespmem:s26+$0xFFFFFFF0];
	v2 =	vmov v16  }
0x84: {  	v13 =	vld [tilespmem:s26+$0xFFFFFFA0];
	v3 =	vmov v12  }
0x85: {  	v12 =	vld [tilespmem:s26+$0xFFFFFFB0]  }
0x86: {  	v15 =	vld [tilespmem:s26+$0xFFFFFF60]  }
0x87: {  	v16 =	vld [tilespmem:s26+$0xFFFFFF70]  }
0x88: {  	v17 =	vld [tilespmem:s26+$0xFFFFFF80]  }
0x89: {  	s25 =	sadd.s32 $0x5, s25;
	v18 =	vld [tilespmem:s26+$0xFFFFFF90]  }
0x8a: {  	p1 =	slt.u32 s25, $0x2D;
	v19 =	vld [tilespmem:s26+$0xFFFFFFC0]  }
0x8b: {  	v20 =	vld [tilespmem:s26+$0xFFFFFFD0]  }
0x8c: {  	v6 =	vld [tilespmem:s26+$0x0]  }
.Ltmp5:
0x8d: {  	v15 =	vadd.f32 v15, v8;
	v10 =	vadd.f32 v16, v10;
	v8 =	vld [tilespmem:s26+$0x10];
	(pc) =	sbr.rel @p1 .LBB2_10-.Ltmp5, $4  }
0x8e: {  	v9 =	vadd.f32 v17, v9;
	v16 =	vadd.f32 v18, v7;
	v7 =	vld [tilespmem:s26+$0x40]  }
0x8f: {  	v15 =	vadd.f32 v13, v15;
	v17 =	vadd.f32 v12, v10;
	v10 =	vld [tilespmem:s26+$0x50]  }
0x90: {  	v13 =	vadd.f32 v19, v9;
	v12 =	vadd.f32 v20, v16;
	v9 =	vld [tilespmem:s26+$0x80]  }
0x91: {  	v15 =	vadd.f32 v14, v15;
	v14 =	vadd.f32 v11, v17;
	v11 =	vld [tilespmem:s26+$0x90];
	s26 =	sadd.s32 $0x140, s26  }
0x92: {  	_ = 	snop  }
0x93: {  	v6 =	vadd.f32 v6, v13;
	v4 =	vadd.f32 v4, v15  }
0x94: {  	v8 =	vadd.f32 v8, v12;
	v5 =	vadd.f32 v5, v14  }
0x95: {  	v6 =	vadd.f32 v7, v6;
	v2 =	vadd.f32 v2, v4  }
0x96: {  	s25 =	sshll.u32 s23, $0x6;
	s23 =	sadd.s32 $0x1, s23;
	v62 =	vadd.f32 v10, v8;
	v3 =	vadd.f32 v3, v5  }
0x97: {  	p1 =	sne.s32 s23, $0x4;
	v63 =	vadd.f32 v9, v6;
	v2 =	vmul.f32 $1.999999960e-02, v2  }
.Ltmp6:
0x98: {  	s25 =	sand.u32 $0x3FFFFFC0, s25;
	v4 =	vadd.f32 v11, v62;
	v3 =	vmul.f32 $1.999999960e-02, v3;
	(pc) =	sbr.rel @p1 .LBB2_9-.Ltmp6, $4  }
0x99: {  	[tilespmem:v1+s25+$0x100 ss:$0x1] =	vst.idx.msk $0xffff, v2;
	v2 =	vmul.f32 $1.999999960e-02, v63  }
0x9a: {  	[tilespmem:v1+s25+$0x110 ss:$0x1] =	vst.idx.msk $0xffff, v3;
	v3 =	vmul.f32 $1.999999960e-02, v4  }
0x9b: {  	[tilespmem:v1+s25+$0x120 ss:$0x1] =	vst.idx.msk $0xffff, v2  }
0x9c: {  	s24 =	sadd.s32 $0xC80, s24;
	[tilespmem:v1+s25+$0x130 ss:$0x1] =	vst.idx.msk $0xffff, v3  }
0x9d: {  	s23 =	sadd.s32 @!p0 $0x3E8, s22;
	s24 =	simm.s32 @!p0 $0xC8;
	s25 =	simm.s32 @!p0 $0x9600  }
0x9e: {  	[tilespmem:s25], [sflag:$0x2] =	stream.indirect.gather @!p0 [hbm4b:s3+s24], $0x40, s23, s24, $0xb8;
	[tilespmem:$0x1AC00] =	vst v63  }
0x9f: {  	_ =	swait.ge [sflag:s17], $0x3200  }
0xa0: {  	[sflag:s17] =	ssyncset.done $0x0  }
0xa1: {  	s23 =	simm.s32 $0x0;
	s24 =	simm.s32 $0xC8A0;
	[sflag:s17] =	ssyncadd.s32 $0xFFFFCE00  }
.LBB2_13:
0xa2: {  	v2 =	vld [tilespmem:s24+$0x60]  }
0xa3: {  	v3 =	vld [tilespmem:s24+$0x70]  }
0xa4: {  	v4 =	vld [tilespmem:s24+$0x20]  }
0xa5: {  	v5 =	vld [tilespmem:s24+$0x30]  }
0xa6: {  	v11 =	vld [tilespmem:s24+$0xFFFFFFE0]  }
0xa7: {  	v14 =	vld [tilespmem:s24+$0xFFFFFFF0]  }
0xa8: {  	v9 =	vld [tilespmem:s24+$0xFFFFFFA0]  }
0xa9: {  	v10 =	vld [tilespmem:s24+$0xFFFFFFB0]  }
0xaa: {  	v7 =	vld [tilespmem:s24+$0xFFFFFF60]  }
0xab: {  	v8 =	vld [tilespmem:s24+$0xFFFFFF70]  }
0xac: {  	v12 =	vld [tilespmem:s24+$0xFFFFFF80]  }
0xad: {  	v13 =	vld [tilespmem:s24+$0xFFFFFF90]  }
0xae: {  	v15 =	vld [tilespmem:s24+$0xFFFFFFC0]  }
0xaf: {  	v16 =	vld [tilespmem:s24+$0xFFFFFFD0]  }
0xb0: {  	v17 =	vimm.f32 $0.0e+00;
	v6 =	vld [tilespmem:s24+$0x0]  }
0xb1: {  	v18 =	vadd.f32 v7, v17;
	v19 =	vadd.f32 v8, v17;
	v8 =	vld [tilespmem:s24+$0x10]  }
0xb2: {  	v12 =	vadd.f32 v12, v17;
	v17 =	vadd.f32 v13, v17;
	v7 =	vld [tilespmem:s24+$0x40]  }
0xb3: {  	v18 =	vadd.f32 v9, v18;
	v19 =	vadd.f32 v10, v19;
	v10 =	vld [tilespmem:s24+$0x50]  }
0xb4: {  	v13 =	vadd.f32 v15, v12;
	v12 =	vadd.f32 v16, v17;
	v9 =	vld [tilespmem:s24+$0x80]  }
0xb5: {  	s25 =	simm.s32 $0x0;
	s26 =	sadd.s32 $0x140, s24;
	v15 =	vadd.f32 v11, v18;
	v14 =	vadd.f32 v14, v19;
	v11 =	vld [tilespmem:s24+$0x90]  }
.LBB2_14:
0xb6: {  	v16 =	vld [tilespmem:s26+$0x60];
	v6 =	vadd.f32 v6, v13;
	v8 =	vadd.f32 v8, v12  }
0xb7: {  	v12 =	vld [tilespmem:s26+$0x70];
	v13 =	vadd.f32 v4, v15;
	v14 =	vadd.f32 v5, v14  }
0xb8: {  	v4 =	vld [tilespmem:s26+$0x20];
	v6 =	vadd.f32 v7, v6;
	v7 =	vadd.f32 v10, v8  }
0xb9: {  	v5 =	vld [tilespmem:s26+$0x30];
	v8 =	vadd.f32 v2, v13;
	v10 =	vadd.f32 v3, v14  }
0xba: {  	v14 =	vld [tilespmem:s26+$0xFFFFFFE0];
	v9 =	vadd.f32 v9, v6;
	v7 =	vadd.f32 v11, v7  }
0xbb: {  	v11 =	vld [tilespmem:s26+$0xFFFFFFF0];
	v2 =	vmov v16  }
0xbc: {  	v13 =	vld [tilespmem:s26+$0xFFFFFFA0];
	v3 =	vmov v12  }
0xbd: {  	v12 =	vld [tilespmem:s26+$0xFFFFFFB0]  }
0xbe: {  	v15 =	vld [tilespmem:s26+$0xFFFFFF60]  }
0xbf: {  	v16 =	vld [tilespmem:s26+$0xFFFFFF70]  }
0xc0: {  	v17 =	vld [tilespmem:s26+$0xFFFFFF80]  }
0xc1: {  	s25 =	sadd.s32 $0x5, s25;
	v18 =	vld [tilespmem:s26+$0xFFFFFF90]  }
0xc2: {  	p1 =	slt.u32 s25, $0x2D;
	v19 =	vld [tilespmem:s26+$0xFFFFFFC0]  }
0xc3: {  	v20 =	vld [tilespmem:s26+$0xFFFFFFD0]  }
0xc4: {  	v6 =	vld [tilespmem:s26+$0x0]  }
.Ltmp7:
0xc5: {  	v15 =	vadd.f32 v15, v8;
	v10 =	vadd.f32 v16, v10;
	v8 =	vld [tilespmem:s26+$0x10];
	(pc) =	sbr.rel @p1 .LBB2_14-.Ltmp7, $4  }
0xc6: {  	v9 =	vadd.f32 v17, v9;
	v16 =	vadd.f32 v18, v7;
	v7 =	vld [tilespmem:s26+$0x40]  }
0xc7: {  	v15 =	vadd.f32 v13, v15;
	v17 =	vadd.f32 v12, v10;
	v10 =	vld [tilespmem:s26+$0x50]  }
0xc8: {  	v13 =	vadd.f32 v19, v9;
	v12 =	vadd.f32 v20, v16;
	v9 =	vld [tilespmem:s26+$0x80]  }
0xc9: {  	v15 =	vadd.f32 v14, v15;
	v14 =	vadd.f32 v11, v17;
	v11 =	vld [tilespmem:s26+$0x90];
	s26 =	sadd.s32 $0x140, s26  }
0xca: {  	_ = 	snop  }
0xcb: {  	v6 =	vadd.f32 v6, v13;
	v4 =	vadd.f32 v4, v15  }
0xcc: {  	v8 =	vadd.f32 v8, v12;
	v5 =	vadd.f32 v5, v14  }
0xcd: {  	v6 =	vadd.f32 v7, v6;
	v2 =	vadd.f32 v2, v4  }
0xce: {  	s25 =	sshll.u32 s23, $0x6;
	s23 =	sadd.s32 $0x1, s23;
	v62 =	vadd.f32 v10, v8;
	v3 =	vadd.f32 v3, v5  }
0xcf: {  	p1 =	sne.s32 s23, $0x4;
	v63 =	vadd.f32 v9, v6;
	v2 =	vmul.f32 $1.999999960e-02, v2  }
.Ltmp8:
0xd0: {  	s25 =	sand.u32 $0x3FFFFFC0, s25;
	v4 =	vadd.f32 v11, v62;
	v3 =	vmul.f32 $1.999999960e-02, v3;
	(pc) =	sbr.rel @p1 .LBB2_13-.Ltmp8, $4  }
0xd1: {  	[tilespmem:v1+s25+$0x200 ss:$0x1] =	vst.idx.msk $0xffff, v2;
	v2 =	vmul.f32 $1.999999960e-02, v63  }
0xd2: {  	[tilespmem:v1+s25+$0x210 ss:$0x1] =	vst.idx.msk $0xffff, v3;
	v3 =	vmul.f32 $1.999999960e-02, v4  }
0xd3: {  	[tilespmem:v1+s25+$0x220 ss:$0x1] =	vst.idx.msk $0xffff, v2  }
0xd4: {  	s24 =	sadd.s32 $0xC80, s24;
	[tilespmem:v1+s25+$0x230 ss:$0x1] =	vst.idx.msk $0xffff, v3  }
0xd5: {  	s22 =	sadd.s32 @!p0 $0x4B0, s22;
	s23 =	simm.s32 @!p0 $0xC8;
	s24 =	simm.s32 @!p0 $0xC800  }
0xd6: {  	[tilespmem:s24], [sflag:$0x3] =	stream.indirect.gather @!p0 [hbm4b:s3+s23], $0x40, s22, s23, $0xb8;
	[tilespmem:$0x1AC00] =	vst v63  }
0xd7: {  	_ =	swait.ge [sflag:s18], $0x3200  }
0xd8: {  	[sflag:s18] =	ssyncset.done $0x0  }
0xd9: {  	s22 =	simm.s32 $0x0;
	s23 =	simm.s32 $0xFAA0;
	[sflag:s18] =	ssyncadd.s32 $0xFFFFCE00  }
.LBB2_17:
0xda: {  	v2 =	vld [tilespmem:s23+$0x60]  }
0xdb: {  	v3 =	vld [tilespmem:s23+$0x70]  }
0xdc: {  	v4 =	vld [tilespmem:s23+$0x20]  }
0xdd: {  	v5 =	vld [tilespmem:s23+$0x30]  }
0xde: {  	v11 =	vld [tilespmem:s23+$0xFFFFFFE0]  }
0xdf: {  	v14 =	vld [tilespmem:s23+$0xFFFFFFF0]  }
0xe0: {  	v9 =	vld [tilespmem:s23+$0xFFFFFFA0]  }
0xe1: {  	v10 =	vld [tilespmem:s23+$0xFFFFFFB0]  }
0xe2: {  	v7 =	vld [tilespmem:s23+$0xFFFFFF60]  }
0xe3: {  	v8 =	vld [tilespmem:s23+$0xFFFFFF70]  }
0xe4: {  	v12 =	vld [tilespmem:s23+$0xFFFFFF80]  }
0xe5: {  	v13 =	vld [tilespmem:s23+$0xFFFFFF90]  }
0xe6: {  	v15 =	vld [tilespmem:s23+$0xFFFFFFC0]  }
0xe7: {  	v16 =	vld [tilespmem:s23+$0xFFFFFFD0]  }
0xe8: {  	v17 =	vimm.f32 $0.0e+00;
	v6 =	vld [tilespmem:s23+$0x0]  }
0xe9: {  	v18 =	vadd.f32 v7, v17;
	v19 =	vadd.f32 v8, v17;
	v8 =	vld [tilespmem:s23+$0x10]  }
0xea: {  	v12 =	vadd.f32 v12, v17;
	v17 =	vadd.f32 v13, v17;
	v7 =	vld [tilespmem:s23+$0x40]  }
0xeb: {  	v18 =	vadd.f32 v9, v18;
	v19 =	vadd.f32 v10, v19;
	v10 =	vld [tilespmem:s23+$0x50]  }
0xec: {  	v13 =	vadd.f32 v15, v12;
	v12 =	vadd.f32 v16, v17;
	v9 =	vld [tilespmem:s23+$0x80]  }
0xed: {  	s24 =	simm.s32 $0x0;
	s25 =	sadd.s32 $0x140, s23;
	v15 =	vadd.f32 v11, v18;
	v14 =	vadd.f32 v14, v19;
	v11 =	vld [tilespmem:s23+$0x90]  }
.LBB2_18:
0xee: {  	v16 =	vld [tilespmem:s25+$0x60];
	v6 =	vadd.f32 v6, v13;
	v8 =	vadd.f32 v8, v12  }
0xef: {  	v12 =	vld [tilespmem:s25+$0x70];
	v13 =	vadd.f32 v4, v15;
	v14 =	vadd.f32 v5, v14  }
0xf0: {  	v4 =	vld [tilespmem:s25+$0x20];
	v6 =	vadd.f32 v7, v6;
	v7 =	vadd.f32 v10, v8  }
0xf1: {  	v5 =	vld [tilespmem:s25+$0x30];
	v8 =	vadd.f32 v2, v13;
	v10 =	vadd.f32 v3, v14  }
0xf2: {  	v14 =	vld [tilespmem:s25+$0xFFFFFFE0];
	v9 =	vadd.f32 v9, v6;
	v7 =	vadd.f32 v11, v7  }
0xf3: {  	v11 =	vld [tilespmem:s25+$0xFFFFFFF0];
	v2 =	vmov v16  }
0xf4: {  	v13 =	vld [tilespmem:s25+$0xFFFFFFA0];
	v3 =	vmov v12  }
0xf5: {  	v12 =	vld [tilespmem:s25+$0xFFFFFFB0]  }
0xf6: {  	v15 =	vld [tilespmem:s25+$0xFFFFFF60]  }
0xf7: {  	v16 =	vld [tilespmem:s25+$0xFFFFFF70]  }
0xf8: {  	v17 =	vld [tilespmem:s25+$0xFFFFFF80]  }
0xf9: {  	s24 =	sadd.s32 $0x5, s24;
	v18 =	vld [tilespmem:s25+$0xFFFFFF90]  }
0xfa: {  	p1 =	slt.u32 s24, $0x2D;
	v19 =	vld [tilespmem:s25+$0xFFFFFFC0]  }
0xfb: {  	v20 =	vld [tilespmem:s25+$0xFFFFFFD0]  }
0xfc: {  	v6 =	vld [tilespmem:s25+$0x0]  }
.Ltmp9:
0xfd: {  	v15 =	vadd.f32 v15, v8;
	v10 =	vadd.f32 v16, v10;
	v8 =	vld [tilespmem:s25+$0x10];
	(pc) =	sbr.rel @p1 .LBB2_18-.Ltmp9, $4  }
0xfe: {  	v9 =	vadd.f32 v17, v9;
	v16 =	vadd.f32 v18, v7;
	v7 =	vld [tilespmem:s25+$0x40]  }
0xff: {  	v15 =	vadd.f32 v13, v15;
	v17 =	vadd.f32 v12, v10;
	v10 =	vld [tilespmem:s25+$0x50]  }
0x100: {  	v13 =	vadd.f32 v19, v9;
	v12 =	vadd.f32 v20, v16;
	v9 =	vld [tilespmem:s25+$0x80]  }
0x101: {  	v15 =	vadd.f32 v14, v15;
	v14 =	vadd.f32 v11, v17;
	v11 =	vld [tilespmem:s25+$0x90];
	s25 =	sadd.s32 $0x140, s25  }
0x102: {  	_ = 	snop  }
0x103: {  	v6 =	vadd.f32 v6, v13;
	v4 =	vadd.f32 v4, v15  }
0x104: {  	v8 =	vadd.f32 v8, v12;
	v5 =	vadd.f32 v5, v14  }
0x105: {  	v6 =	vadd.f32 v7, v6;
	v2 =	vadd.f32 v2, v4  }
0x106: {  	s24 =	sshll.u32 s22, $0x6;
	s22 =	sadd.s32 $0x1, s22;
	v62 =	vadd.f32 v10, v8;
	v3 =	vadd.f32 v3, v5  }
0x107: {  	p1 =	sne.s32 s22, $0x4;
	v63 =	vadd.f32 v9, v6;
	v2 =	vmul.f32 $1.999999960e-02, v2  }
.Ltmp10:
0x108: {  	s24 =	sand.u32 $0x3FFFFFC0, s24;
	v4 =	vadd.f32 v11, v62;
	v3 =	vmul.f32 $1.999999960e-02, v3;
	(pc) =	sbr.rel @p1 .LBB2_17-.Ltmp10, $4  }
0x109: {  	[tilespmem:v1+s24+$0x300 ss:$0x1] =	vst.idx.msk $0xffff, v2;
	v2 =	vmul.f32 $1.999999960e-02, v63  }
0x10a: {  	[tilespmem:v1+s24+$0x310 ss:$0x1] =	vst.idx.msk $0xffff, v3;
	v3 =	vmul.f32 $1.999999960e-02, v4  }
0x10b: {  	[tilespmem:v1+s24+$0x320 ss:$0x1] =	vst.idx.msk $0xffff, v2  }
0x10c: {  	s23 =	sadd.s32 $0xC80, s23;
	[tilespmem:v1+s24+$0x330 ss:$0x1] =	vst.idx.msk $0xffff, v3  }
.Ltmp11:
0x10d: {  	(pc) =	sbr.rel @p0 .LBB2_22-.Ltmp11, $1  }
0x10e: {  	_ =	sdelay $0x3  }
0x10f: {  	s22 =	smul.u32 $0xC80, s21  }
.Ltmp12:
0x110: {  	_ = 	snop;
	(pc) =	sbr.rel .LBB2_4-.Ltmp12, $4  }
0x111: {  	_ = 	snop  }
0x112: {  	s22 =	sshra.s32 s22, $0x2  }
0x113: {  	s21 =	sadd.s32 $0x1, s21;
	s22 =	sadd.s32 $0x578, s22  }
0x114: {  	[tilespmem:s14], [sflag:$0x4] =	stream.indirect.gather [hbm4b:s3+s8], $0x40, s22, s8, $0xb8;
	[tilespmem:$0x1AC00] =	vst v63  }
.LBB2_23:
0x115: {  	_ =	sfence.sel $0x180000  }
0x116: {  	[bflag:$0x0] =	sbarrier.arrive $0xFFFF  }
0x117: {  	p0 =	sne.s32 s0, $0x0;
	_ =	strace $0x90000047  }
0x118: {  	s0 =	sadd.s32 @!p0 $0x100000, s1;
	[bflag:$0x2] =	sbarrier.arrive $0xFFFF  }
0x119: {  	[sflag:s0] =	ssyncadd.tile.s32 @!p0 $0x1;
	_ =	shalt  }
.Lfunc_end2:
_tile_overlayer_lowered:
.L_overlay_start_2:
0x11a: {  	(tag) =	ssettag $0x2  }
0x11b: {  	s0 =	rddreg [dreg:$0x0];
	s2 =	stileid.u32  }
0x11c: {  	s1 =	rddreg [dreg:$0x1];
	p0 =	sne.s32 s2, $0x0  }
0x11d: {  	s3 =	rddreg [dreg:$0x2];
	[bflag:$0x3] =	sbarrier.arrive $0xFFFF;
	s2 =	simm.s32 @!p0 $0x1C05  }
0x11e: {  	[timem:s3], [sflag:s2] =	dma.local @!p0 [hbm:s0], s1  }
0x11f: {  	s0 =	simm.s32 @!p0 $0x5  }
0x120: {  	_ =	swait.ge @!p0 [sflag:s0], s1  }
0x121: {  	s1 =	ssub.s32 @!p0 $0x0, s1;
	[sflag:s0] =	ssyncset.done @!p0 $0x0  }
0x122: {  	[sflag:s0] =	ssyncadd.s32 @!p0 s1  }
0x123: {  	[bflag:$0x3] =	sbarrier.arrive $0xFFFF  }
0x124: {  	_ =	shalt  }

</sc_bundles>
